<compile_context>
chip_gen: v7x
topology: tpu7x:2x2x1
jax: 0.10.2.dev20260603
libtpu: 0.0.44.dev20260713+nightly
codegen_flags: <defaults>
</compile_context>

<pallas_src>
import functools

import jax
import jax.numpy as jnp
from jax import lax
from jax.experimental import pallas as pl
from jax.experimental.pallas import tpu as pltpu
from jax.experimental.pallas import tpu_sc as plsc

B = 16384
N_COUNTRIES = 16
Q = 3
H = 4
D = Q * H

NC = 2
NS = 16
L = 16
NW = NC * NS
BPW = B // NW
GROUPS = BPW // L


def _body(c_hbm, x_hbm, tab_hbm, phi_hbm, out_hbm,
          c_v, x_v, tab_v, tabt_v, phi_v, out_v, sem_c, sem_x, sem_t, sem_p, sem_o):
    wid = lax.axis_index("s") * NC + lax.axis_index("c")
    base = wid * BPW

    cp_c = pltpu.async_copy(c_hbm.at[pl.ds(base, BPW)], c_v, sem_c)
    cp_x = pltpu.async_copy(x_hbm.at[pl.ds(base, BPW)], x_v, sem_x)
    cp_p = pltpu.async_copy(phi_hbm, phi_v, sem_p)
    cp_t = pltpu.async_copy(tab_hbm, tab_v, sem_t)
    lane = lax.iota(jnp.int32, L)
    cp_p.wait()
    phiv = plsc.load_gather(phi_v, [lane * 0])
    cp_t.wait()
    for p in range(D):
        tabt_v[pl.ds(p * L, L)] = plsc.load_gather(tab_v, [lane * jnp.int32(D) + jnp.int32(p)])
    cp_c.wait()
    cp_x.wait()

    def step(t, carry):
        for u in range(2):
            b0 = t * (2 * L) + u * L
            cb = c_v[pl.ds(b0, L)]
            y = x_v[pl.ds(b0, L)] * phiv
            for p in range(D):
                tv = plsc.load_gather(tabt_v.at[pl.ds(p * L, L)], [cb])
                out_v[pl.ds(p * BPW + b0, L)] = tv + y
        return carry

    lax.fori_loop(0, GROUPS // 2, step, 0)

    cps = [
        pltpu.async_copy(
            out_v.at[pl.ds(p * BPW, BPW)],
            out_hbm.at[p // H, p % H, pl.ds(base, BPW)],
            sem_o,
        )
        for p in range(D)
    ]
    for cp in cps:
        cp.wait()


@jax.jit
def _run(c, xf, tab, phi):
    mesh = plsc.VectorSubcoreMesh(core_axis_name="c", subcore_axis_name="s")
    f = functools.partial(
        pl.kernel,
        out_type=jax.ShapeDtypeStruct((Q, H, B), jnp.float32),
        mesh=mesh,
        scratch_types=[
            pltpu.VMEM((BPW,), jnp.int32),
            pltpu.VMEM((BPW,), jnp.float32),
            pltpu.VMEM((N_COUNTRIES * D,), jnp.float32),
            pltpu.VMEM((D * N_COUNTRIES,), jnp.float32),
            pltpu.VMEM((1,), jnp.float32),
            pltpu.VMEM((D * BPW,), jnp.float32),
            pltpu.SemaphoreType.DMA,
            pltpu.SemaphoreType.DMA,
            pltpu.SemaphoreType.DMA,
            pltpu.SemaphoreType.DMA,
            pltpu.SemaphoreType.DMA,
        ],
        compiler_params=pltpu.CompilerParams(needs_layout_passes=False),
    )(_body)
    return f(c, xf, tab, phi)


def kernel(x, country_codes, intercept_tensors, phi_tensors):
    c = country_codes.reshape(B).astype(jnp.int32)
    xf = x.reshape(B)
    tab = intercept_tensors.reshape(N_COUNTRIES * D)
    out = _run(c, xf, tab, phi_tensors)
    return jnp.transpose(out, (2, 0, 1))

# --- scband reference (transcript-rebuilt; emitter-appended) ---
"""Pipeline reference for scband-ar-per-country-84146999263689 (READ-ONLY COPY).

The authoritative reference and input builder live on the scoring server;
editing this copy changes nothing except your own understanding.
"""

import jax, jax.numpy as jnp
import numpy as np

B = 16384
N_COUNTRIES = 16
Q = 3
H = 4


def setup_inputs(seed: int = 0) -> dict:
    key = jax.random.key(seed)
    k1, k2, k3, k4 = jax.random.split(key, 4)
    x = jax.random.normal(k1, (B, 1), dtype=jnp.float32)
    country_codes = jax.random.randint(k2, (B, 1, 1), 0, N_COUNTRIES)
    # learned parameters sized per init_kwargs
    intercept_tensors = jax.random.normal(k3, (N_COUNTRIES, Q, H), dtype=jnp.float32) * 0.1
    phi_tensors = jnp.array([0.83], dtype=jnp.float32)  # phi_average of the per-country phis
    return {"x": x, "country_codes": country_codes,
            "intercept_tensors": intercept_tensors, "phi_tensors": phi_tensors}


def reference(x, country_codes, intercept_tensors, phi_tensors):
    # country_idx = country_codes[:, 0, 0]
    country_idx = country_codes[:, 0, 0]
    # x_expanded = x.squeeze(-1).unsqueeze(1).unsqueeze(2) -> [B, 1, 1]
    x_expanded = jnp.squeeze(x, -1)[:, None, None]
    # gather per-country intercepts [B, Q, H] and AR(1) update
    output = jnp.take(intercept_tensors, country_idx, axis=0) + phi_tensors[0] * x_expanded
    return output

if __name__ == "__main__":
    import jax
    _d = setup_inputs()
    print(jax.jit(kernel)(*tuple(_d.values())))

</pallas_src>

<mosaic_0001>
#map = affine_map<(d0, d1) -> (0)>
#map1 = affine_map<(d0, d1) -> (0, 0, 0)>
module attributes {stable_mosaic.version = 14 : i64} {
  func.func @_body(%arg0: i32, %arg1: i32, %arg2: memref<16384xi32, #tpu.memory_space<hbm>>, %arg3: memref<16384xf32, #tpu.memory_space<hbm>>, %arg4: memref<192xf32, #tpu.memory_space<hbm>>, %arg5: memref<1xf32, #tpu.memory_space<hbm>>, %arg6: memref<3x4x16384xf32, #tpu.memory_space<hbm>>, %arg7: memref<512xi32, #tpu.memory_space<vmem>>, %arg8: memref<512xf32, #tpu.memory_space<vmem>>, %arg9: memref<192xf32, #tpu.memory_space<vmem>>, %arg10: memref<192xf32, #tpu.memory_space<vmem>>, %arg11: memref<1xf32, #tpu.memory_space<vmem>>, %arg12: memref<6144xf32, #tpu.memory_space<vmem>>, %arg13: memref<!tpu.dma_semaphore, #tpu.memory_space<semaphore_mem>>, %arg14: memref<!tpu.dma_semaphore, #tpu.memory_space<semaphore_mem>>, %arg15: memref<!tpu.dma_semaphore, #tpu.memory_space<semaphore_mem>>, %arg16: memref<!tpu.dma_semaphore, #tpu.memory_space<semaphore_mem>>, %arg17: memref<!tpu.dma_semaphore, #tpu.memory_space<semaphore_mem>>) attributes {dimension_semantics = [#tpu.dimension_semantics<core_parallel>, #tpu.dimension_semantics<subcore_parallel>], iteration_bounds = array<i64: 2, 16>, scalar_prefetch = 0 : i64, scratch_operands = 11 : i64, tpu.core_type = #tpu.core_type<sc_vector_subcore>, window_params = [{transform_indices = #map}, {transform_indices = #map}, {transform_indices = #map}, {transform_indices = #map}, {transform_indices = #map1}]} {
    %mul3A = arith.constant 2 : i32
    %mul3A_0 = arith.muli %arg1, %mul3A : i32
    %add3A = arith.addi %mul3A_0, %arg0 : i32
    %mul3A_1 = arith.constant 512 : i32
    %mul3A_2 = arith.muli %add3A, %mul3A_1 : i32
    %dma_start3A = tpu.memref_slice %arg2[%mul3A_2] : memref<16384xi32, #tpu.memory_space<hbm>> -> memref<512xi32, #tpu.memory_space<hbm>>
    %dma_start3A_3 = tpu.memref_slice %arg2[%mul3A_2] : memref<16384xi32, #tpu.memory_space<hbm>> -> memref<512xi32, #tpu.memory_space<hbm>>
    tpu.enqueue_dma source(%dma_start3A_3 : memref<512xi32, #tpu.memory_space<hbm>>) target(%arg7 : memref<512xi32, #tpu.memory_space<vmem>>) target_semaphore(%arg13 : memref<!tpu.dma_semaphore, #tpu.memory_space<semaphore_mem>>)
    %dma_start3A_4 = tpu.memref_slice %arg3[%mul3A_2] : memref<16384xf32, #tpu.memory_space<hbm>> -> memref<512xf32, #tpu.memory_space<hbm>>
    %dma_start3A_5 = tpu.memref_slice %arg3[%mul3A_2] : memref<16384xf32, #tpu.memory_space<hbm>> -> memref<512xf32, #tpu.memory_space<hbm>>
    tpu.enqueue_dma source(%dma_start3A_5 : memref<512xf32, #tpu.memory_space<hbm>>) target(%arg8 : memref<512xf32, #tpu.memory_space<vmem>>) target_semaphore(%arg14 : memref<!tpu.dma_semaphore, #tpu.memory_space<semaphore_mem>>)
    tpu.enqueue_dma source(%arg5 : memref<1xf32, #tpu.memory_space<hbm>>) target(%arg11 : memref<1xf32, #tpu.memory_space<vmem>>) target_semaphore(%arg16 : memref<!tpu.dma_semaphore, #tpu.memory_space<semaphore_mem>>)
    tpu.enqueue_dma source(%arg4 : memref<192xf32, #tpu.memory_space<hbm>>) target(%arg9 : memref<192xf32, #tpu.memory_space<vmem>>) target_semaphore(%arg15 : memref<!tpu.dma_semaphore, #tpu.memory_space<semaphore_mem>>)
    %iota3A = tpu.iota {dimensions = array<i32: 0>} : vector<16xi32>
    tpu.wait_dma2 semaphore(%arg16 : memref<!tpu.dma_semaphore, #tpu.memory_space<semaphore_mem>>) src(%arg5 : memref<1xf32, #tpu.memory_space<hbm>>) dst(%arg11 : memref<1xf32, #tpu.memory_space<vmem>>)
    %mul3A_6 = arith.constant 0 : i32
    %mul3A_7 = vector.broadcast %mul3A_6 : i32 to vector<16xi32>
    %mul3A_8 = arith.muli %iota3A, %mul3A_7 : vector<16xi32>
    %gather3A = tpu.vector_load_idx %arg11[%mul3A_8] : memref<1xf32, #tpu.memory_space<vmem>>[vector<16xi32>], vector<16xf32>,
    tpu.wait_dma2 semaphore(%arg15 : memref<!tpu.dma_semaphore, #tpu.memory_space<semaphore_mem>>) src(%arg4 : memref<192xf32, #tpu.memory_space<hbm>>) dst(%arg9 : memref<192xf32, #tpu.memory_space<vmem>>)
    %mul3A_9 = arith.constant 12 : i32
    %mul3A_10 = vector.broadcast %mul3A_9 : i32 to vector<16xi32>
    %mul3A_11 = arith.muli %iota3A, %mul3A_10 : vector<16xi32>
    %add3A_12 = arith.constant 0 : i32
    %add3A_13 = vector.broadcast %add3A_12 : i32 to vector<16xi32>
    %add3A_14 = arith.addi %mul3A_11, %add3A_13 : vector<16xi32>
    %gather3A_15 = tpu.vector_load_idx %arg9[%add3A_14] : memref<192xf32, #tpu.memory_space<vmem>>[vector<16xi32>], vector<16xf32>,
    %swap3A = arith.constant 0 : index
    %swap3A_16 = tpu.vector_load %arg10[%swap3A] {strides = array<i32>} : memref<192xf32, #tpu.memory_space<vmem>>, vector<16xf32>,
    tpu.vector_store %arg10[%swap3A], %gather3A_15 {strides = array<i32>} : memref<192xf32, #tpu.memory_space<vmem>>, vector<16xf32>,
    %mul3A_17 = arith.constant 12 : i32
    %mul3A_18 = vector.broadcast %mul3A_17 : i32 to vector<16xi32>
    %mul3A_19 = arith.muli %iota3A, %mul3A_18 : vector<16xi32>
    %add3A_20 = arith.constant 1 : i32
    %add3A_21 = vector.broadcast %add3A_20 : i32 to vector<16xi32>
    %add3A_22 = arith.addi %mul3A_19, %add3A_21 : vector<16xi32>
    %gather3A_23 = tpu.vector_load_idx %arg9[%add3A_22] : memref<192xf32, #tpu.memory_space<vmem>>[vector<16xi32>], vector<16xf32>,
    %swap3A_24 = arith.constant 16 : index
    %swap3A_25 = tpu.vector_load %arg10[%swap3A_24] {strides = array<i32>} : memref<192xf32, #tpu.memory_space<vmem>>, vector<16xf32>,
    tpu.vector_store %arg10[%swap3A_24], %gather3A_23 {strides = array<i32>} : memref<192xf32, #tpu.memory_space<vmem>>, vector<16xf32>,
    %mul3A_26 = arith.constant 12 : i32
    %mul3A_27 = vector.broadcast %mul3A_26 : i32 to vector<16xi32>
    %mul3A_28 = arith.muli %iota3A, %mul3A_27 : vector<16xi32>
    %add3A_29 = arith.constant 2 : i32
    %add3A_30 = vector.broadcast %add3A_29 : i32 to vector<16xi32>
    %add3A_31 = arith.addi %mul3A_28, %add3A_30 : vector<16xi32>
    %gather3A_32 = tpu.vector_load_idx %arg9[%add3A_31] : memref<192xf32, #tpu.memory_space<vmem>>[vector<16xi32>], vector<16xf32>,
    %swap3A_33 = arith.constant 32 : index
    %swap3A_34 = tpu.vector_load %arg10[%swap3A_33] {strides = array<i32>} : memref<192xf32, #tpu.memory_space<vmem>>, vector<16xf32>,
    tpu.vector_store %arg10[%swap3A_33], %gather3A_32 {strides = array<i32>} : memref<192xf32, #tpu.memory_space<vmem>>, vector<16xf32>,
    %mul3A_35 = arith.constant 12 : i32
    %mul3A_36 = vector.broadcast %mul3A_35 : i32 to vector<16xi32>
    %mul3A_37 = arith.muli %iota3A, %mul3A_36 : vector<16xi32>
    %add3A_38 = arith.constant 3 : i32
    %add3A_39 = vector.broadcast %add3A_38 : i32 to vector<16xi32>
    %add3A_40 = arith.addi %mul3A_37, %add3A_39 : vector<16xi32>
    %gather3A_41 = tpu.vector_load_idx %arg9[%add3A_40] : memref<192xf32, #tpu.memory_space<vmem>>[vector<16xi32>], vector<16xf32>,
    %swap3A_42 = arith.constant 48 : index
    %swap3A_43 = tpu.vector_load %arg10[%swap3A_42] {strides = array<i32>} : memref<192xf32, #tpu.memory_space<vmem>>, vector<16xf32>,
    tpu.vector_store %arg10[%swap3A_42], %gather3A_41 {strides = array<i32>} : memref<192xf32, #tpu.memory_space<vmem>>, vector<16xf32>,
    %mul3A_44 = arith.constant 12 : i32
    %mul3A_45 = vector.broadcast %mul3A_44 : i32 to vector<16xi32>
    %mul3A_46 = arith.muli %iota3A, %mul3A_45 : vector<16xi32>
    %add3A_47 = arith.constant 4 : i32
    %add3A_48 = vector.broadcast %add3A_47 : i32 to vector<16xi32>
    %add3A_49 = arith.addi %mul3A_46, %add3A_48 : vector<16xi32>
    %gather3A_50 = tpu.vector_load_idx %arg9[%add3A_49] : memref<192xf32, #tpu.memory_space<vmem>>[vector<16xi32>], vector<16xf32>,
    %swap3A_51 = arith.constant 64 : index
    %swap3A_52 = tpu.vector_load %arg10[%swap3A_51] {strides = array<i32>} : memref<192xf32, #tpu.memory_space<vmem>>, vector<16xf32>,
    tpu.vector_store %arg10[%swap3A_51], %gather3A_50 {strides = array<i32>} : memref<192xf32, #tpu.memory_space<vmem>>, vector<16xf32>,
    %mul3A_53 = arith.constant 12 : i32
    %mul3A_54 = vector.broadcast %mul3A_53 : i32 to vector<16xi32>
    %mul3A_55 = arith.muli %iota3A, %mul3A_54 : vector<16xi32>
    %add3A_56 = arith.constant 5 : i32
    %add3A_57 = vector.broadcast %add3A_56 : i32 to vector<16xi32>
    %add3A_58 = arith.addi %mul3A_55, %add3A_57 : vector<16xi32>
    %gather3A_59 = tpu.vector_load_idx %arg9[%add3A_58] : memref<192xf32, #tpu.memory_space<vmem>>[vector<16xi32>], vector<16xf32>,
    %swap3A_60 = arith.constant 80 : index
    %swap3A_61 = tpu.vector_load %arg10[%swap3A_60] {strides = array<i32>} : memref<192xf32, #tpu.memory_space<vmem>>, vector<16xf32>,
    tpu.vector_store %arg10[%swap3A_60], %gather3A_59 {strides = array<i32>} : memref<192xf32, #tpu.memory_space<vmem>>, vector<16xf32>,
    %mul3A_62 = arith.constant 12 : i32
    %mul3A_63 = vector.broadcast %mul3A_62 : i32 to vector<16xi32>
    %mul3A_64 = arith.muli %iota3A, %mul3A_63 : vector<16xi32>
    %add3A_65 = arith.constant 6 : i32
    %add3A_66 = vector.broadcast %add3A_65 : i32 to vector<16xi32>
    %add3A_67 = arith.addi %mul3A_64, %add3A_66 : vector<16xi32>
    %gather3A_68 = tpu.vector_load_idx %arg9[%add3A_67] : memref<192xf32, #tpu.memory_space<vmem>>[vector<16xi32>], vector<16xf32>,
    %swap3A_69 = arith.constant 96 : index
    %swap3A_70 = tpu.vector_load %arg10[%swap3A_69] {strides = array<i32>} : memref<192xf32, #tpu.memory_space<vmem>>, vector<16xf32>,
    tpu.vector_store %arg10[%swap3A_69], %gather3A_68 {strides = array<i32>} : memref<192xf32, #tpu.memory_space<vmem>>, vector<16xf32>,
    %mul3A_71 = arith.constant 12 : i32
    %mul3A_72 = vector.broadcast %mul3A_71 : i32 to vector<16xi32>
    %mul3A_73 = arith.muli %iota3A, %mul3A_72 : vector<16xi32>
    %add3A_74 = arith.constant 7 : i32
    %add3A_75 = vector.broadcast %add3A_74 : i32 to vector<16xi32>
    %add3A_76 = arith.addi %mul3A_73, %add3A_75 : vector<16xi32>
    %gather3A_77 = tpu.vector_load_idx %arg9[%add3A_76] : memref<192xf32, #tpu.memory_space<vmem>>[vector<16xi32>], vector<16xf32>,
    %swap3A_78 = arith.constant 112 : index
    %swap3A_79 = tpu.vector_load %arg10[%swap3A_78] {strides = array<i32>} : memref<192xf32, #tpu.memory_space<vmem>>, vector<16xf32>,
    tpu.vector_store %arg10[%swap3A_78], %gather3A_77 {strides = array<i32>} : memref<192xf32, #tpu.memory_space<vmem>>, vector<16xf32>,
    %mul3A_80 = arith.constant 12 : i32
    %mul3A_81 = vector.broadcast %mul3A_80 : i32 to vector<16xi32>
    %mul3A_82 = arith.muli %iota3A, %mul3A_81 : vector<16xi32>
    %add3A_83 = arith.constant 8 : i32
    %add3A_84 = vector.broadcast %add3A_83 : i32 to vector<16xi32>
    %add3A_85 = arith.addi %mul3A_82, %add3A_84 : vector<16xi32>
    %gather3A_86 = tpu.vector_load_idx %arg9[%add3A_85] : memref<192xf32, #tpu.memory_space<vmem>>[vector<16xi32>], vector<16xf32>,
    %swap3A_87 = arith.constant 128 : index
    %swap3A_88 = tpu.vector_load %arg10[%swap3A_87] {strides = array<i32>} : memref<192xf32, #tpu.memory_space<vmem>>, vector<16xf32>,
    tpu.vector_store %arg10[%swap3A_87], %gather3A_86 {strides = array<i32>} : memref<192xf32, #tpu.memory_space<vmem>>, vector<16xf32>,
    %mul3A_89 = arith.constant 12 : i32
    %mul3A_90 = vector.broadcast %mul3A_89 : i32 to vector<16xi32>
    %mul3A_91 = arith.muli %iota3A, %mul3A_90 : vector<16xi32>
    %add3A_92 = arith.constant 9 : i32
    %add3A_93 = vector.broadcast %add3A_92 : i32 to vector<16xi32>
    %add3A_94 = arith.addi %mul3A_91, %add3A_93 : vector<16xi32>
    %gather3A_95 = tpu.vector_load_idx %arg9[%add3A_94] : memref<192xf32, #tpu.memory_space<vmem>>[vector<16xi32>], vector<16xf32>,
    %swap3A_96 = arith.constant 144 : index
    %swap3A_97 = tpu.vector_load %arg10[%swap3A_96] {strides = array<i32>} : memref<192xf32, #tpu.memory_space<vmem>>, vector<16xf32>,
    tpu.vector_store %arg10[%swap3A_96], %gather3A_95 {strides = array<i32>} : memref<192xf32, #tpu.memory_space<vmem>>, vector<16xf32>,
    %mul3A_98 = arith.constant 12 : i32
    %mul3A_99 = vector.broadcast %mul3A_98 : i32 to vector<16xi32>
    %mul3A_100 = arith.muli %iota3A, %mul3A_99 : vector<16xi32>
    %add3A_101 = arith.constant 10 : i32
    %add3A_102 = vector.broadcast %add3A_101 : i32 to vector<16xi32>
    %add3A_103 = arith.addi %mul3A_100, %add3A_102 : vector<16xi32>
    %gather3A_104 = tpu.vector_load_idx %arg9[%add3A_103] : memref<192xf32, #tpu.memory_space<vmem>>[vector<16xi32>], vector<16xf32>,
    %swap3A_105 = arith.constant 160 : index
    %swap3A_106 = tpu.vector_load %arg10[%swap3A_105] {strides = array<i32>} : memref<192xf32, #tpu.memory_space<vmem>>, vector<16xf32>,
    tpu.vector_store %arg10[%swap3A_105], %gather3A_104 {strides = array<i32>} : memref<192xf32, #tpu.memory_space<vmem>>, vector<16xf32>,
    %mul3A_107 = arith.constant 12 : i32
    %mul3A_108 = vector.broadcast %mul3A_107 : i32 to vector<16xi32>
    %mul3A_109 = arith.muli %iota3A, %mul3A_108 : vector<16xi32>
    %add3A_110 = arith.constant 11 : i32
    %add3A_111 = vector.broadcast %add3A_110 : i32 to vector<16xi32>
    %add3A_112 = arith.addi %mul3A_109, %add3A_111 : vector<16xi32>
    %gather3A_113 = tpu.vector_load_idx %arg9[%add3A_112] : memref<192xf32, #tpu.memory_space<vmem>>[vector<16xi32>], vector<16xf32>,
    %swap3A_114 = arith.constant 176 : index
    %swap3A_115 = tpu.vector_load %arg10[%swap3A_114] {strides = array<i32>} : memref<192xf32, #tpu.memory_space<vmem>>, vector<16xf32>,
    tpu.vector_store %arg10[%swap3A_114], %gather3A_113 {strides = array<i32>} : memref<192xf32, #tpu.memory_space<vmem>>, vector<16xf32>,
    %dma_wait3A = tpu.memref_slice %arg2[%mul3A_2] : memref<16384xi32, #tpu.memory_space<hbm>> -> memref<512xi32, #tpu.memory_space<hbm>>
    %dma_wait3A_116 = tpu.memref_slice %arg2[%mul3A_2] : memref<16384xi32, #tpu.memory_space<hbm>> -> memref<512xi32, #tpu.memory_space<hbm>>
    tpu.wait_dma2 semaphore(%arg13 : memref<!tpu.dma_semaphore, #tpu.memory_space<semaphore_mem>>) src(%dma_wait3A_116 : memref<512xi32, #tpu.memory_space<hbm>>) dst(%arg7 : memref<512xi32, #tpu.memory_space<vmem>>)
    %dma_wait3A_117 = tpu.memref_slice %arg3[%mul3A_2] : memref<16384xf32, #tpu.memory_space<hbm>> -> memref<512xf32, #tpu.memory_space<hbm>>
    %dma_wait3A_118 = tpu.memref_slice %arg3[%mul3A_2] : memref<16384xf32, #tpu.memory_space<hbm>> -> memref<512xf32, #tpu.memory_space<hbm>>
    tpu.wait_dma2 semaphore(%arg14 : memref<!tpu.dma_semaphore, #tpu.memory_space<semaphore_mem>>) src(%dma_wait3A_118 : memref<512xf32, #tpu.memory_space<hbm>>) dst(%arg8 : memref<512xf32, #tpu.memory_space<vmem>>)
    %scan3A = arith.constant 0 : i32
    %scan3A_119 = arith.constant 0 : i32
    %scan3A_120 = arith.constant 16 : i32
    %scan3A_121 = arith.addi %scan3A_119, %scan3A_120 : i32
    %scan3A_122 = arith.constant 1 : i32
    scf.for %scan3A_364 = %scan3A_119 to %scan3A_121 step %scan3A_122  : i32 {
      %mul3A_365 = arith.constant 32 : i32
      %mul3A_366 = arith.muli %scan3A_364, %mul3A_365 : i32
      %add3A_367 = arith.constant 0 : i32
      %add3A_368 = arith.addi %mul3A_366, %add3A_367 : i32
      %get3A = arith.index_cast %add3A_368 : i32 to index
      %get3A_369 = tpu.vector_load %arg7[%get3A] {strides = array<i32>} : memref<512xi32, #tpu.memory_space<vmem>>, vector<16xi32>,
      %get3A_370 = arith.index_cast %add3A_368 : i32 to index
      %get3A_371 = tpu.vector_load %arg8[%get3A_370] {strides = array<i32>} : memref<512xf32, #tpu.memory_space<vmem>>, vector<16xf32>,
      %mul3A_372 = arith.mulf %get3A_371, %gather3A : vector<16xf32>
      %gather3A_373 = arith.constant 0 : i32
      %gather3A_374 = tpu.memref_slice %arg10[%gather3A_373] : memref<192xf32, #tpu.memory_space<vmem>> -> memref<16xf32, #tpu.memory_space<vmem>>
      %gather3A_375 = tpu.vector_load_idx %gather3A_374[%get3A_369] : memref<16xf32, #tpu.memory_space<vmem>>[vector<16xi32>], vector<16xf32>,
      %add3A_376 = arith.addf %gather3A_375, %mul3A_372 : vector<16xf32>
      %add3A_377 = arith.constant 0 : i32
      %add3A_378 = arith.addi %add3A_377, %add3A_368 : i32
      %swap3A_379 = arith.index_cast %add3A_378 : i32 to index
      %swap3A_380 = tpu.vector_load %arg12[%swap3A_379] {strides = array<i32>} : memref<6144xf32, #tpu.memory_space<vmem>>, vector<16xf32>,
      tpu.vector_store %arg12[%swap3A_379], %add3A_376 {strides = array<i32>} : memref<6144xf32, #tpu.memory_space<vmem>>, vector<16xf32>,
      %gather3A_381 = arith.constant 16 : i32
      %gather3A_382 = tpu.memref_slice %arg10[%gather3A_381] : memref<192xf32, #tpu.memory_space<vmem>> -> memref<16xf32, #tpu.memory_space<vmem>>
      %gather3A_383 = tpu.vector_load_idx %gather3A_382[%get3A_369] : memref<16xf32, #tpu.memory_space<vmem>>[vector<16xi32>], vector<16xf32>,
      %add3A_384 = arith.addf %gather3A_383, %mul3A_372 : vector<16xf32>
      %add3A_385 = arith.constant 512 : i32
      %add3A_386 = arith.addi %add3A_385, %add3A_368 : i32
      %swap3A_387 = arith.index_cast %add3A_386 : i32 to index
      %swap3A_388 = tpu.vector_load %arg12[%swap3A_387] {strides = array<i32>} : memref<6144xf32, #tpu.memory_space<vmem>>, vector<16xf32>,
      tpu.vector_store %arg12[%swap3A_387], %add3A_384 {strides = array<i32>} : memref<6144xf32, #tpu.memory_space<vmem>>, vector<16xf32>,
      %gather3A_389 = arith.constant 32 : i32
      %gather3A_390 = tpu.memref_slice %arg10[%gather3A_389] : memref<192xf32, #tpu.memory_space<vmem>> -> memref<16xf32, #tpu.memory_space<vmem>>
      %gather3A_391 = tpu.vector_load_idx %gather3A_390[%get3A_369] : memref<16xf32, #tpu.memory_space<vmem>>[vector<16xi32>], vector<16xf32>,
      %add3A_392 = arith.addf %gather3A_391, %mul3A_372 : vector<16xf32>
      %add3A_393 = arith.constant 1024 : i32
      %add3A_394 = arith.addi %add3A_393, %add3A_368 : i32
      %swap3A_395 = arith.index_cast %add3A_394 : i32 to index
      %swap3A_396 = tpu.vector_load %arg12[%swap3A_395] {strides = array<i32>} : memref<6144xf32, #tpu.memory_space<vmem>>, vector<16xf32>,
      tpu.vector_store %arg12[%swap3A_395], %add3A_392 {strides = array<i32>} : memref<6144xf32, #tpu.memory_space<vmem>>, vector<16xf32>,
      %gather3A_397 = arith.constant 48 : i32
      %gather3A_398 = tpu.memref_slice %arg10[%gather3A_397] : memref<192xf32, #tpu.memory_space<vmem>> -> memref<16xf32, #tpu.memory_space<vmem>>
      %gather3A_399 = tpu.vector_load_idx %gather3A_398[%get3A_369] : memref<16xf32, #tpu.memory_space<vmem>>[vector<16xi32>], vector<16xf32>,
      %add3A_400 = arith.addf %gather3A_399, %mul3A_372 : vector<16xf32>
      %add3A_401 = arith.constant 1536 : i32
      %add3A_402 = arith.addi %add3A_401, %add3A_368 : i32
      %swap3A_403 = arith.index_cast %add3A_402 : i32 to index
      %swap3A_404 = tpu.vector_load %arg12[%swap3A_403] {strides = array<i32>} : memref<6144xf32, #tpu.memory_space<vmem>>, vector<16xf32>,
      tpu.vector_store %arg12[%swap3A_403], %add3A_400 {strides = array<i32>} : memref<6144xf32, #tpu.memory_space<vmem>>, vector<16xf32>,
      %gather3A_405 = arith.constant 64 : i32
      %gather3A_406 = tpu.memref_slice %arg10[%gather3A_405] : memref<192xf32, #tpu.memory_space<vmem>> -> memref<16xf32, #tpu.memory_space<vmem>>
      %gather3A_407 = tpu.vector_load_idx %gather3A_406[%get3A_369] : memref<16xf32, #tpu.memory_space<vmem>>[vector<16xi32>], vector<16xf32>,
      %add3A_408 = arith.addf %gather3A_407, %mul3A_372 : vector<16xf32>
      %add3A_409 = arith.constant 2048 : i32
      %add3A_410 = arith.addi %add3A_409, %add3A_368 : i32
      %swap3A_411 = arith.index_cast %add3A_410 : i32 to index
      %swap3A_412 = tpu.vector_load %arg12[%swap3A_411] {strides = array<i32>} : memref<6144xf32, #tpu.memory_space<vmem>>, vector<16xf32>,
      tpu.vector_store %arg12[%swap3A_411], %add3A_408 {strides = array<i32>} : memref<6144xf32, #tpu.memory_space<vmem>>, vector<16xf32>,
      %gather3A_413 = arith.constant 80 : i32
      %gather3A_414 = tpu.memref_slice %arg10[%gather3A_413] : memref<192xf32, #tpu.memory_space<vmem>> -> memref<16xf32, #tpu.memory_space<vmem>>
      %gather3A_415 = tpu.vector_load_idx %gather3A_414[%get3A_369] : memref<16xf32, #tpu.memory_space<vmem>>[vector<16xi32>], vector<16xf32>,
      %add3A_416 = arith.addf %gather3A_415, %mul3A_372 : vector<16xf32>
      %add3A_417 = arith.constant 2560 : i32
      %add3A_418 = arith.addi %add3A_417, %add3A_368 : i32
      %swap3A_419 = arith.index_cast %add3A_418 : i32 to index
      %swap3A_420 = tpu.vector_load %arg12[%swap3A_419] {strides = array<i32>} : memref<6144xf32, #tpu.memory_space<vmem>>, vector<16xf32>,
      tpu.vector_store %arg12[%swap3A_419], %add3A_416 {strides = array<i32>} : memref<6144xf32, #tpu.memory_space<vmem>>, vector<16xf32>,
      %gather3A_421 = arith.constant 96 : i32
      %gather3A_422 = tpu.memref_slice %arg10[%gather3A_421] : memref<192xf32, #tpu.memory_space<vmem>> -> memref<16xf32, #tpu.memory_space<vmem>>
      %gather3A_423 = tpu.vector_load_idx %gather3A_422[%get3A_369] : memref<16xf32, #tpu.memory_space<vmem>>[vector<16xi32>], vector<16xf32>,
      %add3A_424 = arith.addf %gather3A_423, %mul3A_372 : vector<16xf32>
      %add3A_425 = arith.constant 3072 : i32
      %add3A_426 = arith.addi %add3A_425, %add3A_368 : i32
      %swap3A_427 = arith.index_cast %add3A_426 : i32 to index
      %swap3A_428 = tpu.vector_load %arg12[%swap3A_427] {strides = array<i32>} : memref<6144xf32, #tpu.memory_space<vmem>>, vector<16xf32>,
      tpu.vector_store %arg12[%swap3A_427], %add3A_424 {strides = array<i32>} : memref<6144xf32, #tpu.memory_space<vmem>>, vector<16xf32>,
      %gather3A_429 = arith.constant 112 : i32
      %gather3A_430 = tpu.memref_slice %arg10[%gather3A_429] : memref<192xf32, #tpu.memory_space<vmem>> -> memref<16xf32, #tpu.memory_space<vmem>>
      %gather3A_431 = tpu.vector_load_idx %gather3A_430[%get3A_369] : memref<16xf32, #tpu.memory_space<vmem>>[vector<16xi32>], vector<16xf32>,
      %add3A_432 = arith.addf %gather3A_431, %mul3A_372 : vector<16xf32>
      %add3A_433 = arith.constant 3584 : i32
      %add3A_434 = arith.addi %add3A_433, %add3A_368 : i32
      %swap3A_435 = arith.index_cast %add3A_434 : i32 to index
      %swap3A_436 = tpu.vector_load %arg12[%swap3A_435] {strides = array<i32>} : memref<6144xf32, #tpu.memory_space<vmem>>, vector<16xf32>,
      tpu.vector_store %arg12[%swap3A_435], %add3A_432 {strides = array<i32>} : memref<6144xf32, #tpu.memory_space<vmem>>, vector<16xf32>,
      %gather3A_437 = arith.constant 128 : i32
      %gather3A_438 = tpu.memref_slice %arg10[%gather3A_437] : memref<192xf32, #tpu.memory_space<vmem>> -> memref<16xf32, #tpu.memory_space<vmem>>
      %gather3A_439 = tpu.vector_load_idx %gather3A_438[%get3A_369] : memref<16xf32, #tpu.memory_space<vmem>>[vector<16xi32>], vector<16xf32>,
      %add3A_440 = arith.addf %gather3A_439, %mul3A_372 : vector<16xf32>
      %add3A_441 = arith.constant 4096 : i32
      %add3A_442 = arith.addi %add3A_441, %add3A_368 : i32
      %swap3A_443 = arith.index_cast %add3A_442 : i32 to index
      %swap3A_444 = tpu.vector_load %arg12[%swap3A_443] {strides = array<i32>} : memref<6144xf32, #tpu.memory_space<vmem>>, vector<16xf32>,
      tpu.vector_store %arg12[%swap3A_443], %add3A_440 {strides = array<i32>} : memref<6144xf32, #tpu.memory_space<vmem>>, vector<16xf32>,
      %gather3A_445 = arith.constant 144 : i32
      %gather3A_446 = tpu.memref_slice %arg10[%gather3A_445] : memref<192xf32, #tpu.memory_space<vmem>> -> memref<16xf32, #tpu.memory_space<vmem>>
      %gather3A_447 = tpu.vector_load_idx %gather3A_446[%get3A_369] : memref<16xf32, #tpu.memory_space<vmem>>[vector<16xi32>], vector<16xf32>,
      %add3A_448 = arith.addf %gather3A_447, %mul3A_372 : vector<16xf32>
      %add3A_449 = arith.constant 4608 : i32
      %add3A_450 = arith.addi %add3A_449, %add3A_368 : i32
      %swap3A_451 = arith.index_cast %add3A_450 : i32 to index
      %swap3A_452 = tpu.vector_load %arg12[%swap3A_451] {strides = array<i32>} : memref<6144xf32, #tpu.memory_space<vmem>>, vector<16xf32>,
      tpu.vector_store %arg12[%swap3A_451], %add3A_448 {strides = array<i32>} : memref<6144xf32, #tpu.memory_space<vmem>>, vector<16xf32>,
      %gather3A_453 = arith.constant 160 : i32
      %gather3A_454 = tpu.memref_slice %arg10[%gather3A_453] : memref<192xf32, #tpu.memory_space<vmem>> -> memref<16xf32, #tpu.memory_space<vmem>>
      %gather3A_455 = tpu.vector_load_idx %gather3A_454[%get3A_369] : memref<16xf32, #tpu.memory_space<vmem>>[vector<16xi32>], vector<16xf32>,
      %add3A_456 = arith.addf %gather3A_455, %mul3A_372 : vector<16xf32>
      %add3A_457 = arith.constant 5120 : i32
      %add3A_458 = arith.addi %add3A_457, %add3A_368 : i32
      %swap3A_459 = arith.index_cast %add3A_458 : i32 to index
      %swap3A_460 = tpu.vector_load %arg12[%swap3A_459] {strides = array<i32>} : memref<6144xf32, #tpu.memory_space<vmem>>, vector<16xf32>,
      tpu.vector_store %arg12[%swap3A_459], %add3A_456 {strides = array<i32>} : memref<6144xf32, #tpu.memory_space<vmem>>, vector<16xf32>,
      %gather3A_461 = arith.constant 176 : i32
      %gather3A_462 = tpu.memref_slice %arg10[%gather3A_461] : memref<192xf32, #tpu.memory_space<vmem>> -> memref<16xf32, #tpu.memory_space<vmem>>
      %gather3A_463 = tpu.vector_load_idx %gather3A_462[%get3A_369] : memref<16xf32, #tpu.memory_space<vmem>>[vector<16xi32>], vector<16xf32>,
      %add3A_464 = arith.addf %gather3A_463, %mul3A_372 : vector<16xf32>
      %add3A_465 = arith.constant 5632 : i32
      %add3A_466 = arith.addi %add3A_465, %add3A_368 : i32
      %swap3A_467 = arith.index_cast %add3A_466 : i32 to index
      %swap3A_468 = tpu.vector_load %arg12[%swap3A_467] {strides = array<i32>} : memref<6144xf32, #tpu.memory_space<vmem>>, vector<16xf32>,
      tpu.vector_store %arg12[%swap3A_467], %add3A_464 {strides = array<i32>} : memref<6144xf32, #tpu.memory_space<vmem>>, vector<16xf32>,
      %mul3A_469 = arith.constant 32 : i32
      %mul3A_470 = arith.muli %scan3A_364, %mul3A_469 : i32
      %add3A_471 = arith.constant 16 : i32
      %add3A_472 = arith.addi %mul3A_470, %add3A_471 : i32
      %get3A_473 = arith.index_cast %add3A_472 : i32 to index
      %get3A_474 = tpu.vector_load %arg7[%get3A_473] {strides = array<i32>} : memref<512xi32, #tpu.memory_space<vmem>>, vector<16xi32>,
      %get3A_475 = arith.index_cast %add3A_472 : i32 to index
      %get3A_476 = tpu.vector_load %arg8[%get3A_475] {strides = array<i32>} : memref<512xf32, #tpu.memory_space<vmem>>, vector<16xf32>,
      %mul3A_477 = arith.mulf %get3A_476, %gather3A : vector<16xf32>
      %gather3A_478 = arith.constant 0 : i32
      %gather3A_479 = tpu.memref_slice %arg10[%gather3A_478] : memref<192xf32, #tpu.memory_space<vmem>> -> memref<16xf32, #tpu.memory_space<vmem>>
      %gather3A_480 = tpu.vector_load_idx %gather3A_479[%get3A_474] : memref<16xf32, #tpu.memory_space<vmem>>[vector<16xi32>], vector<16xf32>,
      %add3A_481 = arith.addf %gather3A_480, %mul3A_477 : vector<16xf32>
      %add3A_482 = arith.constant 0 : i32
      %add3A_483 = arith.addi %add3A_482, %add3A_472 : i32
      %swap3A_484 = arith.index_cast %add3A_483 : i32 to index
      %swap3A_485 = tpu.vector_load %arg12[%swap3A_484] {strides = array<i32>} : memref<6144xf32, #tpu.memory_space<vmem>>, vector<16xf32>,
      tpu.vector_store %arg12[%swap3A_484], %add3A_481 {strides = array<i32>} : memref<6144xf32, #tpu.memory_space<vmem>>, vector<16xf32>,
      %gather3A_486 = arith.constant 16 : i32
      %gather3A_487 = tpu.memref_slice %arg10[%gather3A_486] : memref<192xf32, #tpu.memory_space<vmem>> -> memref<16xf32, #tpu.memory_space<vmem>>
      %gather3A_488 = tpu.vector_load_idx %gather3A_487[%get3A_474] : memref<16xf32, #tpu.memory_space<vmem>>[vector<16xi32>], vector<16xf32>,
      %add3A_489 = arith.addf %gather3A_488, %mul3A_477 : vector<16xf32>
      %add3A_490 = arith.constant 512 : i32
      %add3A_491 = arith.addi %add3A_490, %add3A_472 : i32
      %swap3A_492 = arith.index_cast %add3A_491 : i32 to index
      %swap3A_493 = tpu.vector_load %arg12[%swap3A_492] {strides = array<i32>} : memref<6144xf32, #tpu.memory_space<vmem>>, vector<16xf32>,
      tpu.vector_store %arg12[%swap3A_492], %add3A_489 {strides = array<i32>} : memref<6144xf32, #tpu.memory_space<vmem>>, vector<16xf32>,
      %gather3A_494 = arith.constant 32 : i32
      %gather3A_495 = tpu.memref_slice %arg10[%gather3A_494] : memref<192xf32, #tpu.memory_space<vmem>> -> memref<16xf32, #tpu.memory_space<vmem>>
      %gather3A_496 = tpu.vector_load_idx %gather3A_495[%get3A_474] : memref<16xf32, #tpu.memory_space<vmem>>[vector<16xi32>], vector<16xf32>,
      %add3A_497 = arith.addf %gather3A_496, %mul3A_477 : vector<16xf32>
      %add3A_498 = arith.constant 1024 : i32
      %add3A_499 = arith.addi %add3A_498, %add3A_472 : i32
      %swap3A_500 = arith.index_cast %add3A_499 : i32 to index
      %swap3A_501 = tpu.vector_load %arg12[%swap3A_500] {strides = array<i32>} : memref<6144xf32, #tpu.memory_space<vmem>>, vector<16xf32>,
      tpu.vector_store %arg12[%swap3A_500], %add3A_497 {strides = array<i32>} : memref<6144xf32, #tpu.memory_space<vmem>>, vector<16xf32>,
      %gather3A_502 = arith.constant 48 : i32
      %gather3A_503 = tpu.memref_slice %arg10[%gather3A_502] : memref<192xf32, #tpu.memory_space<vmem>> -> memref<16xf32, #tpu.memory_space<vmem>>
      %gather3A_504 = tpu.vector_load_idx %gather3A_503[%get3A_474] : memref<16xf32, #tpu.memory_space<vmem>>[vector<16xi32>], vector<16xf32>,
      %add3A_505 = arith.addf %gather3A_504, %mul3A_477 : vector<16xf32>
      %add3A_506 = arith.constant 1536 : i32
      %add3A_507 = arith.addi %add3A_506, %add3A_472 : i32
      %swap3A_508 = arith.index_cast %add3A_507 : i32 to index
      %swap3A_509 = tpu.vector_load %arg12[%swap3A_508] {strides = array<i32>} : memref<6144xf32, #tpu.memory_space<vmem>>, vector<16xf32>,
      tpu.vector_store %arg12[%swap3A_508], %add3A_505 {strides = array<i32>} : memref<6144xf32, #tpu.memory_space<vmem>>, vector<16xf32>,
      %gather3A_510 = arith.constant 64 : i32
      %gather3A_511 = tpu.memref_slice %arg10[%gather3A_510] : memref<192xf32, #tpu.memory_space<vmem>> -> memref<16xf32, #tpu.memory_space<vmem>>
      %gather3A_512 = tpu.vector_load_idx %gather3A_511[%get3A_474] : memref<16xf32, #tpu.memory_space<vmem>>[vector<16xi32>], vector<16xf32>,
      %add3A_513 = arith.addf %gather3A_512, %mul3A_477 : vector<16xf32>
      %add3A_514 = arith.constant 2048 : i32
      %add3A_515 = arith.addi %add3A_514, %add3A_472 : i32
      %swap3A_516 = arith.index_cast %add3A_515 : i32 to index
      %swap3A_517 = tpu.vector_load %arg12[%swap3A_516] {strides = array<i32>} : memref<6144xf32, #tpu.memory_space<vmem>>, vector<16xf32>,
      tpu.vector_store %arg12[%swap3A_516], %add3A_513 {strides = array<i32>} : memref<6144xf32, #tpu.memory_space<vmem>>, vector<16xf32>,
      %gather3A_518 = arith.constant 80 : i32
      %gather3A_519 = tpu.memref_slice %arg10[%gather3A_518] : memref<192xf32, #tpu.memory_space<vmem>> -> memref<16xf32, #tpu.memory_space<vmem>>
      %gather3A_520 = tpu.vector_load_idx %gather3A_519[%get3A_474] : memref<16xf32, #tpu.memory_space<vmem>>[vector<16xi32>], vector<16xf32>,
      %add3A_521 = arith.addf %gather3A_520, %mul3A_477 : vector<16xf32>
      %add3A_522 = arith.constant 2560 : i32
      %add3A_523 = arith.addi %add3A_522, %add3A_472 : i32
      %swap3A_524 = arith.index_cast %add3A_523 : i32 to index
      %swap3A_525 = tpu.vector_load %arg12[%swap3A_524] {strides = array<i32>} : memref<6144xf32, #tpu.memory_space<vmem>>, vector<16xf32>,
      tpu.vector_store %arg12[%swap3A_524], %add3A_521 {strides = array<i32>} : memref<6144xf32, #tpu.memory_space<vmem>>, vector<16xf32>,
      %gather3A_526 = arith.constant 96 : i32
      %gather3A_527 = tpu.memref_slice %arg10[%gather3A_526] : memref<192xf32, #tpu.memory_space<vmem>> -> memref<16xf32, #tpu.memory_space<vmem>>
      %gather3A_528 = tpu.vector_load_idx %gather3A_527[%get3A_474] : memref<16xf32, #tpu.memory_space<vmem>>[vector<16xi32>], vector<16xf32>,
      %add3A_529 = arith.addf %gather3A_528, %mul3A_477 : vector<16xf32>
      %add3A_530 = arith.constant 3072 : i32
      %add3A_531 = arith.addi %add3A_530, %add3A_472 : i32
      %swap3A_532 = arith.index_cast %add3A_531 : i32 to index
      %swap3A_533 = tpu.vector_load %arg12[%swap3A_532] {strides = array<i32>} : memref<6144xf32, #tpu.memory_space<vmem>>, vector<16xf32>,
      tpu.vector_store %arg12[%swap3A_532], %add3A_529 {strides = array<i32>} : memref<6144xf32, #tpu.memory_space<vmem>>, vector<16xf32>,
      %gather3A_534 = arith.constant 112 : i32
      %gather3A_535 = tpu.memref_slice %arg10[%gather3A_534] : memref<192xf32, #tpu.memory_space<vmem>> -> memref<16xf32, #tpu.memory_space<vmem>>
      %gather3A_536 = tpu.vector_load_idx %gather3A_535[%get3A_474] : memref<16xf32, #tpu.memory_space<vmem>>[vector<16xi32>], vector<16xf32>,
      %add3A_537 = arith.addf %gather3A_536, %mul3A_477 : vector<16xf32>
      %add3A_538 = arith.constant 3584 : i32
      %add3A_539 = arith.addi %add3A_538, %add3A_472 : i32
      %swap3A_540 = arith.index_cast %add3A_539 : i32 to index
      %swap3A_541 = tpu.vector_load %arg12[%swap3A_540] {strides = array<i32>} : memref<6144xf32, #tpu.memory_space<vmem>>, vector<16xf32>,
      tpu.vector_store %arg12[%swap3A_540], %add3A_537 {strides = array<i32>} : memref<6144xf32, #tpu.memory_space<vmem>>, vector<16xf32>,
      %gather3A_542 = arith.constant 128 : i32
      %gather3A_543 = tpu.memref_slice %arg10[%gather3A_542] : memref<192xf32, #tpu.memory_space<vmem>> -> memref<16xf32, #tpu.memory_space<vmem>>
      %gather3A_544 = tpu.vector_load_idx %gather3A_543[%get3A_474] : memref<16xf32, #tpu.memory_space<vmem>>[vector<16xi32>], vector<16xf32>,
      %add3A_545 = arith.addf %gather3A_544, %mul3A_477 : vector<16xf32>
      %add3A_546 = arith.constant 4096 : i32
      %add3A_547 = arith.addi %add3A_546, %add3A_472 : i32
      %swap3A_548 = arith.index_cast %add3A_547 : i32 to index
      %swap3A_549 = tpu.vector_load %arg12[%swap3A_548] {strides = array<i32>} : memref<6144xf32, #tpu.memory_space<vmem>>, vector<16xf32>,
      tpu.vector_store %arg12[%swap3A_548], %add3A_545 {strides = array<i32>} : memref<6144xf32, #tpu.memory_space<vmem>>, vector<16xf32>,
      %gather3A_550 = arith.constant 144 : i32
      %gather3A_551 = tpu.memref_slice %arg10[%gather3A_550] : memref<192xf32, #tpu.memory_space<vmem>> -> memref<16xf32, #tpu.memory_space<vmem>>
      %gather3A_552 = tpu.vector_load_idx %gather3A_551[%get3A_474] : memref<16xf32, #tpu.memory_space<vmem>>[vector<16xi32>], vector<16xf32>,
      %add3A_553 = arith.addf %gather3A_552, %mul3A_477 : vector<16xf32>
      %add3A_554 = arith.constant 4608 : i32
      %add3A_555 = arith.addi %add3A_554, %add3A_472 : i32
      %swap3A_556 = arith.index_cast %add3A_555 : i32 to index
      %swap3A_557 = tpu.vector_load %arg12[%swap3A_556] {strides = array<i32>} : memref<6144xf32, #tpu.memory_space<vmem>>, vector<16xf32>,
      tpu.vector_store %arg12[%swap3A_556], %add3A_553 {strides = array<i32>} : memref<6144xf32, #tpu.memory_space<vmem>>, vector<16xf32>,
      %gather3A_558 = arith.constant 160 : i32
      %gather3A_559 = tpu.memref_slice %arg10[%gather3A_558] : memref<192xf32, #tpu.memory_space<vmem>> -> memref<16xf32, #tpu.memory_space<vmem>>
      %gather3A_560 = tpu.vector_load_idx %gather3A_559[%get3A_474] : memref<16xf32, #tpu.memory_space<vmem>>[vector<16xi32>], vector<16xf32>,
      %add3A_561 = arith.addf %gather3A_560, %mul3A_477 : vector<16xf32>
      %add3A_562 = arith.constant 5120 : i32
      %add3A_563 = arith.addi %add3A_562, %add3A_472 : i32
      %swap3A_564 = arith.index_cast %add3A_563 : i32 to index
      %swap3A_565 = tpu.vector_load %arg12[%swap3A_564] {strides = array<i32>} : memref<6144xf32, #tpu.memory_space<vmem>>, vector<16xf32>,
      tpu.vector_store %arg12[%swap3A_564], %add3A_561 {strides = array<i32>} : memref<6144xf32, #tpu.memory_space<vmem>>, vector<16xf32>,
      %gather3A_566 = arith.constant 176 : i32
      %gather3A_567 = tpu.memref_slice %arg10[%gather3A_566] : memref<192xf32, #tpu.memory_space<vmem>> -> memref<16xf32, #tpu.memory_space<vmem>>
      %gather3A_568 = tpu.vector_load_idx %gather3A_567[%get3A_474] : memref<16xf32, #tpu.memory_space<vmem>>[vector<16xi32>], vector<16xf32>,
      %add3A_569 = arith.addf %gather3A_568, %mul3A_477 : vector<16xf32>
      %add3A_570 = arith.constant 5632 : i32
      %add3A_571 = arith.addi %add3A_570, %add3A_472 : i32
      %swap3A_572 = arith.index_cast %add3A_571 : i32 to index
      %swap3A_573 = tpu.vector_load %arg12[%swap3A_572] {strides = array<i32>} : memref<6144xf32, #tpu.memory_space<vmem>>, vector<16xf32>,
      tpu.vector_store %arg12[%swap3A_572], %add3A_569 {strides = array<i32>} : memref<6144xf32, #tpu.memory_space<vmem>>, vector<16xf32>,
    }
    %scan3A_123 = arith.constant 16 : i32
    %dma_start3A_124 = arith.constant 0 : i32
    %dma_start3A_125 = arith.constant 0 : i32
    %dma_start3A_126 = arith.constant 0 : i32
    %dma_start3A_127 = tpu.memref_slice %arg12[%dma_start3A_126] : memref<6144xf32, #tpu.memory_space<vmem>> -> memref<512xf32, #tpu.memory_space<vmem>>
    %dma_start3A_128 = tpu.memref_slice %arg6[%dma_start3A_124, %dma_start3A_125, %mul3A_2] : memref<3x4x16384xf32, #tpu.memory_space<hbm>> -> memref<1x1x512xf32, #tpu.memory_space<hbm>>
    %dma_start3A_129 = tpu.memref_squeeze %dma_start3A_128 : memref<1x1x512xf32, #tpu.memory_space<hbm>> -> memref<512xf32, #tpu.memory_space<hbm>>
    %dma_start3A_130 = tpu.memref_slice %arg6[%dma_start3A_124, %dma_start3A_125, %mul3A_2] : memref<3x4x16384xf32, #tpu.memory_space<hbm>> -> memref<1x1x512xf32, #tpu.memory_space<hbm>>
    %dma_start3A_131 = tpu.memref_squeeze %dma_start3A_130 : memref<1x1x512xf32, #tpu.memory_space<hbm>> -> memref<512xf32, #tpu.memory_space<hbm>>
    %dma_start3A_132 = arith.constant 0 : i32
    %dma_start3A_133 = tpu.memref_slice %arg12[%dma_start3A_132] : memref<6144xf32, #tpu.memory_space<vmem>> -> memref<512xf32, #tpu.memory_space<vmem>>
    tpu.enqueue_dma source(%dma_start3A_133 : memref<512xf32, #tpu.memory_space<vmem>>) target(%dma_start3A_131 : memref<512xf32, #tpu.memory_space<hbm>>) target_semaphore(%arg17 : memref<!tpu.dma_semaphore, #tpu.memory_space<semaphore_mem>>)
    %dma_start3A_134 = arith.constant 0 : i32
    %dma_start3A_135 = arith.constant 1 : i32
    %dma_start3A_136 = arith.constant 512 : i32
    %dma_start3A_137 = tpu.memref_slice %arg12[%dma_start3A_136] : memref<6144xf32, #tpu.memory_space<vmem>> -> memref<512xf32, #tpu.memory_space<vmem>>
    %dma_start3A_138 = tpu.memref_slice %arg6[%dma_start3A_134, %dma_start3A_135, %mul3A_2] : memref<3x4x16384xf32, #tpu.memory_space<hbm>> -> memref<1x1x512xf32, #tpu.memory_space<hbm>>
    %dma_start3A_139 = tpu.memref_squeeze %dma_start3A_138 : memref<1x1x512xf32, #tpu.memory_space<hbm>> -> memref<512xf32, #tpu.memory_space<hbm>>
    %dma_start3A_140 = tpu.memref_slice %arg6[%dma_start3A_134, %dma_start3A_135, %mul3A_2] : memref<3x4x16384xf32, #tpu.memory_space<hbm>> -> memref<1x1x512xf32, #tpu.memory_space<hbm>>
    %dma_start3A_141 = tpu.memref_squeeze %dma_start3A_140 : memref<1x1x512xf32, #tpu.memory_space<hbm>> -> memref<512xf32, #tpu.memory_space<hbm>>
    %dma_start3A_142 = arith.constant 512 : i32
    %dma_start3A_143 = tpu.memref_slice %arg12[%dma_start3A_142] : memref<6144xf32, #tpu.memory_space<vmem>> -> memref<512xf32, #tpu.memory_space<vmem>>
    tpu.enqueue_dma source(%dma_start3A_143 : memref<512xf32, #tpu.memory_space<vmem>>) target(%dma_start3A_141 : memref<512xf32, #tpu.memory_space<hbm>>) target_semaphore(%arg17 : memref<!tpu.dma_semaphore, #tpu.memory_space<semaphore_mem>>)
    %dma_start3A_144 = arith.constant 0 : i32
    %dma_start3A_145 = arith.constant 2 : i32
    %dma_start3A_146 = arith.constant 1024 : i32
    %dma_start3A_147 = tpu.memref_slice %arg12[%dma_start3A_146] : memref<6144xf32, #tpu.memory_space<vmem>> -> memref<512xf32, #tpu.memory_space<vmem>>
    %dma_start3A_148 = tpu.memref_slice %arg6[%dma_start3A_144, %dma_start3A_145, %mul3A_2] : memref<3x4x16384xf32, #tpu.memory_space<hbm>> -> memref<1x1x512xf32, #tpu.memory_space<hbm>>
    %dma_start3A_149 = tpu.memref_squeeze %dma_start3A_148 : memref<1x1x512xf32, #tpu.memory_space<hbm>> -> memref<512xf32, #tpu.memory_space<hbm>>
    %dma_start3A_150 = tpu.memref_slice %arg6[%dma_start3A_144, %dma_start3A_145, %mul3A_2] : memref<3x4x16384xf32, #tpu.memory_space<hbm>> -> memref<1x1x512xf32, #tpu.memory_space<hbm>>
    %dma_start3A_151 = tpu.memref_squeeze %dma_start3A_150 : memref<1x1x512xf32, #tpu.memory_space<hbm>> -> memref<512xf32, #tpu.memory_space<hbm>>
    %dma_start3A_152 = arith.constant 1024 : i32
    %dma_start3A_153 = tpu.memref_slice %arg12[%dma_start3A_152] : memref<6144xf32, #tpu.memory_space<vmem>> -> memref<512xf32, #tpu.memory_space<vmem>>
    tpu.enqueue_dma source(%dma_start3A_153 : memref<512xf32, #tpu.memory_space<vmem>>) target(%dma_start3A_151 : memref<512xf32, #tpu.memory_space<hbm>>) target_semaphore(%arg17 : memref<!tpu.dma_semaphore, #tpu.memory_space<semaphore_mem>>)
    %dma_start3A_154 = arith.constant 0 : i32
    %dma_start3A_155 = arith.constant 3 : i32
    %dma_start3A_156 = arith.constant 1536 : i32
    %dma_start3A_157 = tpu.memref_slice %arg12[%dma_start3A_156] : memref<6144xf32, #tpu.memory_space<vmem>> -> memref<512xf32, #tpu.memory_space<vmem>>
    %dma_start3A_158 = tpu.memref_slice %arg6[%dma_start3A_154, %dma_start3A_155, %mul3A_2] : memref<3x4x16384xf32, #tpu.memory_space<hbm>> -> memref<1x1x512xf32, #tpu.memory_space<hbm>>
    %dma_start3A_159 = tpu.memref_squeeze %dma_start3A_158 : memref<1x1x512xf32, #tpu.memory_space<hbm>> -> memref<512xf32, #tpu.memory_space<hbm>>
    %dma_start3A_160 = tpu.memref_slice %arg6[%dma_start3A_154, %dma_start3A_155, %mul3A_2] : memref<3x4x16384xf32, #tpu.memory_space<hbm>> -> memref<1x1x512xf32, #tpu.memory_space<hbm>>
    %dma_start3A_161 = tpu.memref_squeeze %dma_start3A_160 : memref<1x1x512xf32, #tpu.memory_space<hbm>> -> memref<512xf32, #tpu.memory_space<hbm>>
    %dma_start3A_162 = arith.constant 1536 : i32
    %dma_start3A_163 = tpu.memref_slice %arg12[%dma_start3A_162] : memref<6144xf32, #tpu.memory_space<vmem>> -> memref<512xf32, #tpu.memory_space<vmem>>
    tpu.enqueue_dma source(%dma_start3A_163 : memref<512xf32, #tpu.memory_space<vmem>>) target(%dma_start3A_161 : memref<512xf32, #tpu.memory_space<hbm>>) target_semaphore(%arg17 : memref<!tpu.dma_semaphore, #tpu.memory_space<semaphore_mem>>)
    %dma_start3A_164 = arith.constant 1 : i32
    %dma_start3A_165 = arith.constant 0 : i32
    %dma_start3A_166 = arith.constant 2048 : i32
    %dma_start3A_167 = tpu.memref_slice %arg12[%dma_start3A_166] : memref<6144xf32, #tpu.memory_space<vmem>> -> memref<512xf32, #tpu.memory_space<vmem>>
    %dma_start3A_168 = tpu.memref_slice %arg6[%dma_start3A_164, %dma_start3A_165, %mul3A_2] : memref<3x4x16384xf32, #tpu.memory_space<hbm>> -> memref<1x1x512xf32, #tpu.memory_space<hbm>>
    %dma_start3A_169 = tpu.memref_squeeze %dma_start3A_168 : memref<1x1x512xf32, #tpu.memory_space<hbm>> -> memref<512xf32, #tpu.memory_space<hbm>>
    %dma_start3A_170 = tpu.memref_slice %arg6[%dma_start3A_164, %dma_start3A_165, %mul3A_2] : memref<3x4x16384xf32, #tpu.memory_space<hbm>> -> memref<1x1x512xf32, #tpu.memory_space<hbm>>
    %dma_start3A_171 = tpu.memref_squeeze %dma_start3A_170 : memref<1x1x512xf32, #tpu.memory_space<hbm>> -> memref<512xf32, #tpu.memory_space<hbm>>
    %dma_start3A_172 = arith.constant 2048 : i32
    %dma_start3A_173 = tpu.memref_slice %arg12[%dma_start3A_172] : memref<6144xf32, #tpu.memory_space<vmem>> -> memref<512xf32, #tpu.memory_space<vmem>>
    tpu.enqueue_dma source(%dma_start3A_173 : memref<512xf32, #tpu.memory_space<vmem>>) target(%dma_start3A_171 : memref<512xf32, #tpu.memory_space<hbm>>) target_semaphore(%arg17 : memref<!tpu.dma_semaphore, #tpu.memory_space<semaphore_mem>>)
    %dma_start3A_174 = arith.constant 1 : i32
    %dma_start3A_175 = arith.constant 1 : i32
    %dma_start3A_176 = arith.constant 2560 : i32
    %dma_start3A_177 = tpu.memref_slice %arg12[%dma_start3A_176] : memref<6144xf32, #tpu.memory_space<vmem>> -> memref<512xf32, #tpu.memory_space<vmem>>
    %dma_start3A_178 = tpu.memref_slice %arg6[%dma_start3A_174, %dma_start3A_175, %mul3A_2] : memref<3x4x16384xf32, #tpu.memory_space<hbm>> -> memref<1x1x512xf32, #tpu.memory_space<hbm>>
    %dma_start3A_179 = tpu.memref_squeeze %dma_start3A_178 : memref<1x1x512xf32, #tpu.memory_space<hbm>> -> memref<512xf32, #tpu.memory_space<hbm>>
    %dma_start3A_180 = tpu.memref_slice %arg6[%dma_start3A_174, %dma_start3A_175, %mul3A_2] : memref<3x4x16384xf32, #tpu.memory_space<hbm>> -> memref<1x1x512xf32, #tpu.memory_space<hbm>>
    %dma_start3A_181 = tpu.memref_squeeze %dma_start3A_180 : memref<1x1x512xf32, #tpu.memory_space<hbm>> -> memref<512xf32, #tpu.memory_space<hbm>>
    %dma_start3A_182 = arith.constant 2560 : i32
    %dma_start3A_183 = tpu.memref_slice %arg12[%dma_start3A_182] : memref<6144xf32, #tpu.memory_space<vmem>> -> memref<512xf32, #tpu.memory_space<vmem>>
    tpu.enqueue_dma source(%dma_start3A_183 : memref<512xf32, #tpu.memory_space<vmem>>) target(%dma_start3A_181 : memref<512xf32, #tpu.memory_space<hbm>>) target_semaphore(%arg17 : memref<!tpu.dma_semaphore, #tpu.memory_space<semaphore_mem>>)
    %dma_start3A_184 = arith.constant 1 : i32
    %dma_start3A_185 = arith.constant 2 : i32
    %dma_start3A_186 = arith.constant 3072 : i32
    %dma_start3A_187 = tpu.memref_slice %arg12[%dma_start3A_186] : memref<6144xf32, #tpu.memory_space<vmem>> -> memref<512xf32, #tpu.memory_space<vmem>>
    %dma_start3A_188 = tpu.memref_slice %arg6[%dma_start3A_184, %dma_start3A_185, %mul3A_2] : memref<3x4x16384xf32, #tpu.memory_space<hbm>> -> memref<1x1x512xf32, #tpu.memory_space<hbm>>
    %dma_start3A_189 = tpu.memref_squeeze %dma_start3A_188 : memref<1x1x512xf32, #tpu.memory_space<hbm>> -> memref<512xf32, #tpu.memory_space<hbm>>
    %dma_start3A_190 = tpu.memref_slice %arg6[%dma_start3A_184, %dma_start3A_185, %mul3A_2] : memref<3x4x16384xf32, #tpu.memory_space<hbm>> -> memref<1x1x512xf32, #tpu.memory_space<hbm>>
    %dma_start3A_191 = tpu.memref_squeeze %dma_start3A_190 : memref<1x1x512xf32, #tpu.memory_space<hbm>> -> memref<512xf32, #tpu.memory_space<hbm>>
    %dma_start3A_192 = arith.constant 3072 : i32
    %dma_start3A_193 = tpu.memref_slice %arg12[%dma_start3A_192] : memref<6144xf32, #tpu.memory_space<vmem>> -> memref<512xf32, #tpu.memory_space<vmem>>
    tpu.enqueue_dma source(%dma_start3A_193 : memref<512xf32, #tpu.memory_space<vmem>>) target(%dma_start3A_191 : memref<512xf32, #tpu.memory_space<hbm>>) target_semaphore(%arg17 : memref<!tpu.dma_semaphore, #tpu.memory_space<semaphore_mem>>)
    %dma_start3A_194 = arith.constant 1 : i32
    %dma_start3A_195 = arith.constant 3 : i32
    %dma_start3A_196 = arith.constant 3584 : i32
    %dma_start3A_197 = tpu.memref_slice %arg12[%dma_start3A_196] : memref<6144xf32, #tpu.memory_space<vmem>> -> memref<512xf32, #tpu.memory_space<vmem>>
    %dma_start3A_198 = tpu.memref_slice %arg6[%dma_start3A_194, %dma_start3A_195, %mul3A_2] : memref<3x4x16384xf32, #tpu.memory_space<hbm>> -> memref<1x1x512xf32, #tpu.memory_space<hbm>>
    %dma_start3A_199 = tpu.memref_squeeze %dma_start3A_198 : memref<1x1x512xf32, #tpu.memory_space<hbm>> -> memref<512xf32, #tpu.memory_space<hbm>>
    %dma_start3A_200 = tpu.memref_slice %arg6[%dma_start3A_194, %dma_start3A_195, %mul3A_2] : memref<3x4x16384xf32, #tpu.memory_space<hbm>> -> memref<1x1x512xf32, #tpu.memory_space<hbm>>
    %dma_start3A_201 = tpu.memref_squeeze %dma_start3A_200 : memref<1x1x512xf32, #tpu.memory_space<hbm>> -> memref<512xf32, #tpu.memory_space<hbm>>
    %dma_start3A_202 = arith.constant 3584 : i32
    %dma_start3A_203 = tpu.memref_slice %arg12[%dma_start3A_202] : memref<6144xf32, #tpu.memory_space<vmem>> -> memref<512xf32, #tpu.memory_space<vmem>>
    tpu.enqueue_dma source(%dma_start3A_203 : memref<512xf32, #tpu.memory_space<vmem>>) target(%dma_start3A_201 : memref<512xf32, #tpu.memory_space<hbm>>) target_semaphore(%arg17 : memref<!tpu.dma_semaphore, #tpu.memory_space<semaphore_mem>>)
    %dma_start3A_204 = arith.constant 2 : i32
    %dma_start3A_205 = arith.constant 0 : i32
    %dma_start3A_206 = arith.constant 4096 : i32
    %dma_start3A_207 = tpu.memref_slice %arg12[%dma_start3A_206] : memref<6144xf32, #tpu.memory_space<vmem>> -> memref<512xf32, #tpu.memory_space<vmem>>
    %dma_start3A_208 = tpu.memref_slice %arg6[%dma_start3A_204, %dma_start3A_205, %mul3A_2] : memref<3x4x16384xf32, #tpu.memory_space<hbm>> -> memref<1x1x512xf32, #tpu.memory_space<hbm>>
    %dma_start3A_209 = tpu.memref_squeeze %dma_start3A_208 : memref<1x1x512xf32, #tpu.memory_space<hbm>> -> memref<512xf32, #tpu.memory_space<hbm>>
    %dma_start3A_210 = tpu.memref_slice %arg6[%dma_start3A_204, %dma_start3A_205, %mul3A_2] : memref<3x4x16384xf32, #tpu.memory_space<hbm>> -> memref<1x1x512xf32, #tpu.memory_space<hbm>>
    %dma_start3A_211 = tpu.memref_squeeze %dma_start3A_210 : memref<1x1x512xf32, #tpu.memory_space<hbm>> -> memref<512xf32, #tpu.memory_space<hbm>>
    %dma_start3A_212 = arith.constant 4096 : i32
    %dma_start3A_213 = tpu.memref_slice %arg12[%dma_start3A_212] : memref<6144xf32, #tpu.memory_space<vmem>> -> memref<512xf32, #tpu.memory_space<vmem>>
    tpu.enqueue_dma source(%dma_start3A_213 : memref<512xf32, #tpu.memory_space<vmem>>) target(%dma_start3A_211 : memref<512xf32, #tpu.memory_space<hbm>>) target_semaphore(%arg17 : memref<!tpu.dma_semaphore, #tpu.memory_space<semaphore_mem>>)
    %dma_start3A_214 = arith.constant 2 : i32
    %dma_start3A_215 = arith.constant 1 : i32
    %dma_start3A_216 = arith.constant 4608 : i32
    %dma_start3A_217 = tpu.memref_slice %arg12[%dma_start3A_216] : memref<6144xf32, #tpu.memory_space<vmem>> -> memref<512xf32, #tpu.memory_space<vmem>>
    %dma_start3A_218 = tpu.memref_slice %arg6[%dma_start3A_214, %dma_start3A_215, %mul3A_2] : memref<3x4x16384xf32, #tpu.memory_space<hbm>> -> memref<1x1x512xf32, #tpu.memory_space<hbm>>
    %dma_start3A_219 = tpu.memref_squeeze %dma_start3A_218 : memref<1x1x512xf32, #tpu.memory_space<hbm>> -> memref<512xf32, #tpu.memory_space<hbm>>
    %dma_start3A_220 = tpu.memref_slice %arg6[%dma_start3A_214, %dma_start3A_215, %mul3A_2] : memref<3x4x16384xf32, #tpu.memory_space<hbm>> -> memref<1x1x512xf32, #tpu.memory_space<hbm>>
    %dma_start3A_221 = tpu.memref_squeeze %dma_start3A_220 : memref<1x1x512xf32, #tpu.memory_space<hbm>> -> memref<512xf32, #tpu.memory_space<hbm>>
    %dma_start3A_222 = arith.constant 4608 : i32
    %dma_start3A_223 = tpu.memref_slice %arg12[%dma_start3A_222] : memref<6144xf32, #tpu.memory_space<vmem>> -> memref<512xf32, #tpu.memory_space<vmem>>
    tpu.enqueue_dma source(%dma_start3A_223 : memref<512xf32, #tpu.memory_space<vmem>>) target(%dma_start3A_221 : memref<512xf32, #tpu.memory_space<hbm>>) target_semaphore(%arg17 : memref<!tpu.dma_semaphore, #tpu.memory_space<semaphore_mem>>)
    %dma_start3A_224 = arith.constant 2 : i32
    %dma_start3A_225 = arith.constant 2 : i32
    %dma_start3A_226 = arith.constant 5120 : i32
    %dma_start3A_227 = tpu.memref_slice %arg12[%dma_start3A_226] : memref<6144xf32, #tpu.memory_space<vmem>> -> memref<512xf32, #tpu.memory_space<vmem>>
    %dma_start3A_228 = tpu.memref_slice %arg6[%dma_start3A_224, %dma_start3A_225, %mul3A_2] : memref<3x4x16384xf32, #tpu.memory_space<hbm>> -> memref<1x1x512xf32, #tpu.memory_space<hbm>>
    %dma_start3A_229 = tpu.memref_squeeze %dma_start3A_228 : memref<1x1x512xf32, #tpu.memory_space<hbm>> -> memref<512xf32, #tpu.memory_space<hbm>>
    %dma_start3A_230 = tpu.memref_slice %arg6[%dma_start3A_224, %dma_start3A_225, %mul3A_2] : memref<3x4x16384xf32, #tpu.memory_space<hbm>> -> memref<1x1x512xf32, #tpu.memory_space<hbm>>
    %dma_start3A_231 = tpu.memref_squeeze %dma_start3A_230 : memref<1x1x512xf32, #tpu.memory_space<hbm>> -> memref<512xf32, #tpu.memory_space<hbm>>
    %dma_start3A_232 = arith.constant 5120 : i32
    %dma_start3A_233 = tpu.memref_slice %arg12[%dma_start3A_232] : memref<6144xf32, #tpu.memory_space<vmem>> -> memref<512xf32, #tpu.memory_space<vmem>>
    tpu.enqueue_dma source(%dma_start3A_233 : memref<512xf32, #tpu.memory_space<vmem>>) target(%dma_start3A_231 : memref<512xf32, #tpu.memory_space<hbm>>) target_semaphore(%arg17 : memref<!tpu.dma_semaphore, #tpu.memory_space<semaphore_mem>>)
    %dma_start3A_234 = arith.constant 2 : i32
    %dma_start3A_235 = arith.constant 3 : i32
    %dma_start3A_236 = arith.constant 5632 : i32
    %dma_start3A_237 = tpu.memref_slice %arg12[%dma_start3A_236] : memref<6144xf32, #tpu.memory_space<vmem>> -> memref<512xf32, #tpu.memory_space<vmem>>
    %dma_start3A_238 = tpu.memref_slice %arg6[%dma_start3A_234, %dma_start3A_235, %mul3A_2] : memref<3x4x16384xf32, #tpu.memory_space<hbm>> -> memref<1x1x512xf32, #tpu.memory_space<hbm>>
    %dma_start3A_239 = tpu.memref_squeeze %dma_start3A_238 : memref<1x1x512xf32, #tpu.memory_space<hbm>> -> memref<512xf32, #tpu.memory_space<hbm>>
    %dma_start3A_240 = tpu.memref_slice %arg6[%dma_start3A_234, %dma_start3A_235, %mul3A_2] : memref<3x4x16384xf32, #tpu.memory_space<hbm>> -> memref<1x1x512xf32, #tpu.memory_space<hbm>>
    %dma_start3A_241 = tpu.memref_squeeze %dma_start3A_240 : memref<1x1x512xf32, #tpu.memory_space<hbm>> -> memref<512xf32, #tpu.memory_space<hbm>>
    %dma_start3A_242 = arith.constant 5632 : i32
    %dma_start3A_243 = tpu.memref_slice %arg12[%dma_start3A_242] : memref<6144xf32, #tpu.memory_space<vmem>> -> memref<512xf32, #tpu.memory_space<vmem>>
    tpu.enqueue_dma source(%dma_start3A_243 : memref<512xf32, #tpu.memory_space<vmem>>) target(%dma_start3A_241 : memref<512xf32, #tpu.memory_space<hbm>>) target_semaphore(%arg17 : memref<!tpu.dma_semaphore, #tpu.memory_space<semaphore_mem>>)
    %dma_wait3A_244 = arith.constant 0 : i32
    %dma_wait3A_245 = arith.constant 0 : i32
    %dma_wait3A_246 = arith.constant 0 : i32
    %dma_wait3A_247 = tpu.memref_slice %arg12[%dma_wait3A_246] : memref<6144xf32, #tpu.memory_space<vmem>> -> memref<512xf32, #tpu.memory_space<vmem>>
    %dma_wait3A_248 = tpu.memref_slice %arg6[%dma_wait3A_244, %dma_wait3A_245, %mul3A_2] : memref<3x4x16384xf32, #tpu.memory_space<hbm>> -> memref<1x1x512xf32, #tpu.memory_space<hbm>>
    %dma_wait3A_249 = tpu.memref_squeeze %dma_wait3A_248 : memref<1x1x512xf32, #tpu.memory_space<hbm>> -> memref<512xf32, #tpu.memory_space<hbm>>
    %dma_wait3A_250 = tpu.memref_slice %arg6[%dma_wait3A_244, %dma_wait3A_245, %mul3A_2] : memref<3x4x16384xf32, #tpu.memory_space<hbm>> -> memref<1x1x512xf32, #tpu.memory_space<hbm>>
    %dma_wait3A_251 = tpu.memref_squeeze %dma_wait3A_250 : memref<1x1x512xf32, #tpu.memory_space<hbm>> -> memref<512xf32, #tpu.memory_space<hbm>>
    %dma_wait3A_252 = arith.constant 0 : i32
    %dma_wait3A_253 = tpu.memref_slice %arg12[%dma_wait3A_252] : memref<6144xf32, #tpu.memory_space<vmem>> -> memref<512xf32, #tpu.memory_space<vmem>>
    tpu.wait_dma2 semaphore(%arg17 : memref<!tpu.dma_semaphore, #tpu.memory_space<semaphore_mem>>) src(%dma_wait3A_253 : memref<512xf32, #tpu.memory_space<vmem>>) dst(%dma_wait3A_251 : memref<512xf32, #tpu.memory_space<hbm>>)
    %dma_wait3A_254 = arith.constant 0 : i32
    %dma_wait3A_255 = arith.constant 1 : i32
    %dma_wait3A_256 = arith.constant 512 : i32
    %dma_wait3A_257 = tpu.memref_slice %arg12[%dma_wait3A_256] : memref<6144xf32, #tpu.memory_space<vmem>> -> memref<512xf32, #tpu.memory_space<vmem>>
    %dma_wait3A_258 = tpu.memref_slice %arg6[%dma_wait3A_254, %dma_wait3A_255, %mul3A_2] : memref<3x4x16384xf32, #tpu.memory_space<hbm>> -> memref<1x1x512xf32, #tpu.memory_space<hbm>>
    %dma_wait3A_259 = tpu.memref_squeeze %dma_wait3A_258 : memref<1x1x512xf32, #tpu.memory_space<hbm>> -> memref<512xf32, #tpu.memory_space<hbm>>
    %dma_wait3A_260 = tpu.memref_slice %arg6[%dma_wait3A_254, %dma_wait3A_255, %mul3A_2] : memref<3x4x16384xf32, #tpu.memory_space<hbm>> -> memref<1x1x512xf32, #tpu.memory_space<hbm>>
    %dma_wait3A_261 = tpu.memref_squeeze %dma_wait3A_260 : memref<1x1x512xf32, #tpu.memory_space<hbm>> -> memref<512xf32, #tpu.memory_space<hbm>>
    %dma_wait3A_262 = arith.constant 512 : i32
    %dma_wait3A_263 = tpu.memref_slice %arg12[%dma_wait3A_262] : memref<6144xf32, #tpu.memory_space<vmem>> -> memref<512xf32, #tpu.memory_space<vmem>>
    tpu.wait_dma2 semaphore(%arg17 : memref<!tpu.dma_semaphore, #tpu.memory_space<semaphore_mem>>) src(%dma_wait3A_263 : memref<512xf32, #tpu.memory_space<vmem>>) dst(%dma_wait3A_261 : memref<512xf32, #tpu.memory_space<hbm>>)
    %dma_wait3A_264 = arith.constant 0 : i32
    %dma_wait3A_265 = arith.constant 2 : i32
    %dma_wait3A_266 = arith.constant 1024 : i32
    %dma_wait3A_267 = tpu.memref_slice %arg12[%dma_wait3A_266] : memref<6144xf32, #tpu.memory_space<vmem>> -> memref<512xf32, #tpu.memory_space<vmem>>
    %dma_wait3A_268 = tpu.memref_slice %arg6[%dma_wait3A_264, %dma_wait3A_265, %mul3A_2] : memref<3x4x16384xf32, #tpu.memory_space<hbm>> -> memref<1x1x512xf32, #tpu.memory_space<hbm>>
    %dma_wait3A_269 = tpu.memref_squeeze %dma_wait3A_268 : memref<1x1x512xf32, #tpu.memory_space<hbm>> -> memref<512xf32, #tpu.memory_space<hbm>>
    %dma_wait3A_270 = tpu.memref_slice %arg6[%dma_wait3A_264, %dma_wait3A_265, %mul3A_2] : memref<3x4x16384xf32, #tpu.memory_space<hbm>> -> memref<1x1x512xf32, #tpu.memory_space<hbm>>
    %dma_wait3A_271 = tpu.memref_squeeze %dma_wait3A_270 : memref<1x1x512xf32, #tpu.memory_space<hbm>> -> memref<512xf32, #tpu.memory_space<hbm>>
    %dma_wait3A_272 = arith.constant 1024 : i32
    %dma_wait3A_273 = tpu.memref_slice %arg12[%dma_wait3A_272] : memref<6144xf32, #tpu.memory_space<vmem>> -> memref<512xf32, #tpu.memory_space<vmem>>
    tpu.wait_dma2 semaphore(%arg17 : memref<!tpu.dma_semaphore, #tpu.memory_space<semaphore_mem>>) src(%dma_wait3A_273 : memref<512xf32, #tpu.memory_space<vmem>>) dst(%dma_wait3A_271 : memref<512xf32, #tpu.memory_space<hbm>>)
    %dma_wait3A_274 = arith.constant 0 : i32
    %dma_wait3A_275 = arith.constant 3 : i32
    %dma_wait3A_276 = arith.constant 1536 : i32
    %dma_wait3A_277 = tpu.memref_slice %arg12[%dma_wait3A_276] : memref<6144xf32, #tpu.memory_space<vmem>> -> memref<512xf32, #tpu.memory_space<vmem>>
    %dma_wait3A_278 = tpu.memref_slice %arg6[%dma_wait3A_274, %dma_wait3A_275, %mul3A_2] : memref<3x4x16384xf32, #tpu.memory_space<hbm>> -> memref<1x1x512xf32, #tpu.memory_space<hbm>>
    %dma_wait3A_279 = tpu.memref_squeeze %dma_wait3A_278 : memref<1x1x512xf32, #tpu.memory_space<hbm>> -> memref<512xf32, #tpu.memory_space<hbm>>
    %dma_wait3A_280 = tpu.memref_slice %arg6[%dma_wait3A_274, %dma_wait3A_275, %mul3A_2] : memref<3x4x16384xf32, #tpu.memory_space<hbm>> -> memref<1x1x512xf32, #tpu.memory_space<hbm>>
    %dma_wait3A_281 = tpu.memref_squeeze %dma_wait3A_280 : memref<1x1x512xf32, #tpu.memory_space<hbm>> -> memref<512xf32, #tpu.memory_space<hbm>>
    %dma_wait3A_282 = arith.constant 1536 : i32
    %dma_wait3A_283 = tpu.memref_slice %arg12[%dma_wait3A_282] : memref<6144xf32, #tpu.memory_space<vmem>> -> memref<512xf32, #tpu.memory_space<vmem>>
    tpu.wait_dma2 semaphore(%arg17 : memref<!tpu.dma_semaphore, #tpu.memory_space<semaphore_mem>>) src(%dma_wait3A_283 : memref<512xf32, #tpu.memory_space<vmem>>) dst(%dma_wait3A_281 : memref<512xf32, #tpu.memory_space<hbm>>)
    %dma_wait3A_284 = arith.constant 1 : i32
    %dma_wait3A_285 = arith.constant 0 : i32
    %dma_wait3A_286 = arith.constant 2048 : i32
    %dma_wait3A_287 = tpu.memref_slice %arg12[%dma_wait3A_286] : memref<6144xf32, #tpu.memory_space<vmem>> -> memref<512xf32, #tpu.memory_space<vmem>>
    %dma_wait3A_288 = tpu.memref_slice %arg6[%dma_wait3A_284, %dma_wait3A_285, %mul3A_2] : memref<3x4x16384xf32, #tpu.memory_space<hbm>> -> memref<1x1x512xf32, #tpu.memory_space<hbm>>
    %dma_wait3A_289 = tpu.memref_squeeze %dma_wait3A_288 : memref<1x1x512xf32, #tpu.memory_space<hbm>> -> memref<512xf32, #tpu.memory_space<hbm>>
    %dma_wait3A_290 = tpu.memref_slice %arg6[%dma_wait3A_284, %dma_wait3A_285, %mul3A_2] : memref<3x4x16384xf32, #tpu.memory_space<hbm>> -> memref<1x1x512xf32, #tpu.memory_space<hbm>>
    %dma_wait3A_291 = tpu.memref_squeeze %dma_wait3A_290 : memref<1x1x512xf32, #tpu.memory_space<hbm>> -> memref<512xf32, #tpu.memory_space<hbm>>
    %dma_wait3A_292 = arith.constant 2048 : i32
    %dma_wait3A_293 = tpu.memref_slice %arg12[%dma_wait3A_292] : memref<6144xf32, #tpu.memory_space<vmem>> -> memref<512xf32, #tpu.memory_space<vmem>>
    tpu.wait_dma2 semaphore(%arg17 : memref<!tpu.dma_semaphore, #tpu.memory_space<semaphore_mem>>) src(%dma_wait3A_293 : memref<512xf32, #tpu.memory_space<vmem>>) dst(%dma_wait3A_291 : memref<512xf32, #tpu.memory_space<hbm>>)
    %dma_wait3A_294 = arith.constant 1 : i32
    %dma_wait3A_295 = arith.constant 1 : i32
    %dma_wait3A_296 = arith.constant 2560 : i32
    %dma_wait3A_297 = tpu.memref_slice %arg12[%dma_wait3A_296] : memref<6144xf32, #tpu.memory_space<vmem>> -> memref<512xf32, #tpu.memory_space<vmem>>
    %dma_wait3A_298 = tpu.memref_slice %arg6[%dma_wait3A_294, %dma_wait3A_295, %mul3A_2] : memref<3x4x16384xf32, #tpu.memory_space<hbm>> -> memref<1x1x512xf32, #tpu.memory_space<hbm>>
    %dma_wait3A_299 = tpu.memref_squeeze %dma_wait3A_298 : memref<1x1x512xf32, #tpu.memory_space<hbm>> -> memref<512xf32, #tpu.memory_space<hbm>>
    %dma_wait3A_300 = tpu.memref_slice %arg6[%dma_wait3A_294, %dma_wait3A_295, %mul3A_2] : memref<3x4x16384xf32, #tpu.memory_space<hbm>> -> memref<1x1x512xf32, #tpu.memory_space<hbm>>
    %dma_wait3A_301 = tpu.memref_squeeze %dma_wait3A_300 : memref<1x1x512xf32, #tpu.memory_space<hbm>> -> memref<512xf32, #tpu.memory_space<hbm>>
    %dma_wait3A_302 = arith.constant 2560 : i32
    %dma_wait3A_303 = tpu.memref_slice %arg12[%dma_wait3A_302] : memref<6144xf32, #tpu.memory_space<vmem>> -> memref<512xf32, #tpu.memory_space<vmem>>
    tpu.wait_dma2 semaphore(%arg17 : memref<!tpu.dma_semaphore, #tpu.memory_space<semaphore_mem>>) src(%dma_wait3A_303 : memref<512xf32, #tpu.memory_space<vmem>>) dst(%dma_wait3A_301 : memref<512xf32, #tpu.memory_space<hbm>>)
    %dma_wait3A_304 = arith.constant 1 : i32
    %dma_wait3A_305 = arith.constant 2 : i32
    %dma_wait3A_306 = arith.constant 3072 : i32
    %dma_wait3A_307 = tpu.memref_slice %arg12[%dma_wait3A_306] : memref<6144xf32, #tpu.memory_space<vmem>> -> memref<512xf32, #tpu.memory_space<vmem>>
    %dma_wait3A_308 = tpu.memref_slice %arg6[%dma_wait3A_304, %dma_wait3A_305, %mul3A_2] : memref<3x4x16384xf32, #tpu.memory_space<hbm>> -> memref<1x1x512xf32, #tpu.memory_space<hbm>>
    %dma_wait3A_309 = tpu.memref_squeeze %dma_wait3A_308 : memref<1x1x512xf32, #tpu.memory_space<hbm>> -> memref<512xf32, #tpu.memory_space<hbm>>
    %dma_wait3A_310 = tpu.memref_slice %arg6[%dma_wait3A_304, %dma_wait3A_305, %mul3A_2] : memref<3x4x16384xf32, #tpu.memory_space<hbm>> -> memref<1x1x512xf32, #tpu.memory_space<hbm>>
    %dma_wait3A_311 = tpu.memref_squeeze %dma_wait3A_310 : memref<1x1x512xf32, #tpu.memory_space<hbm>> -> memref<512xf32, #tpu.memory_space<hbm>>
    %dma_wait3A_312 = arith.constant 3072 : i32
    %dma_wait3A_313 = tpu.memref_slice %arg12[%dma_wait3A_312] : memref<6144xf32, #tpu.memory_space<vmem>> -> memref<512xf32, #tpu.memory_space<vmem>>
    tpu.wait_dma2 semaphore(%arg17 : memref<!tpu.dma_semaphore, #tpu.memory_space<semaphore_mem>>) src(%dma_wait3A_313 : memref<512xf32, #tpu.memory_space<vmem>>) dst(%dma_wait3A_311 : memref<512xf32, #tpu.memory_space<hbm>>)
    %dma_wait3A_314 = arith.constant 1 : i32
    %dma_wait3A_315 = arith.constant 3 : i32
    %dma_wait3A_316 = arith.constant 3584 : i32
    %dma_wait3A_317 = tpu.memref_slice %arg12[%dma_wait3A_316] : memref<6144xf32, #tpu.memory_space<vmem>> -> memref<512xf32, #tpu.memory_space<vmem>>
    %dma_wait3A_318 = tpu.memref_slice %arg6[%dma_wait3A_314, %dma_wait3A_315, %mul3A_2] : memref<3x4x16384xf32, #tpu.memory_space<hbm>> -> memref<1x1x512xf32, #tpu.memory_space<hbm>>
    %dma_wait3A_319 = tpu.memref_squeeze %dma_wait3A_318 : memref<1x1x512xf32, #tpu.memory_space<hbm>> -> memref<512xf32, #tpu.memory_space<hbm>>
    %dma_wait3A_320 = tpu.memref_slice %arg6[%dma_wait3A_314, %dma_wait3A_315, %mul3A_2] : memref<3x4x16384xf32, #tpu.memory_space<hbm>> -> memref<1x1x512xf32, #tpu.memory_space<hbm>>
    %dma_wait3A_321 = tpu.memref_squeeze %dma_wait3A_320 : memref<1x1x512xf32, #tpu.memory_space<hbm>> -> memref<512xf32, #tpu.memory_space<hbm>>
    %dma_wait3A_322 = arith.constant 3584 : i32
    %dma_wait3A_323 = tpu.memref_slice %arg12[%dma_wait3A_322] : memref<6144xf32, #tpu.memory_space<vmem>> -> memref<512xf32, #tpu.memory_space<vmem>>
    tpu.wait_dma2 semaphore(%arg17 : memref<!tpu.dma_semaphore, #tpu.memory_space<semaphore_mem>>) src(%dma_wait3A_323 : memref<512xf32, #tpu.memory_space<vmem>>) dst(%dma_wait3A_321 : memref<512xf32, #tpu.memory_space<hbm>>)
    %dma_wait3A_324 = arith.constant 2 : i32
    %dma_wait3A_325 = arith.constant 0 : i32
    %dma_wait3A_326 = arith.constant 4096 : i32
    %dma_wait3A_327 = tpu.memref_slice %arg12[%dma_wait3A_326] : memref<6144xf32, #tpu.memory_space<vmem>> -> memref<512xf32, #tpu.memory_space<vmem>>
    %dma_wait3A_328 = tpu.memref_slice %arg6[%dma_wait3A_324, %dma_wait3A_325, %mul3A_2] : memref<3x4x16384xf32, #tpu.memory_space<hbm>> -> memref<1x1x512xf32, #tpu.memory_space<hbm>>
    %dma_wait3A_329 = tpu.memref_squeeze %dma_wait3A_328 : memref<1x1x512xf32, #tpu.memory_space<hbm>> -> memref<512xf32, #tpu.memory_space<hbm>>
    %dma_wait3A_330 = tpu.memref_slice %arg6[%dma_wait3A_324, %dma_wait3A_325, %mul3A_2] : memref<3x4x16384xf32, #tpu.memory_space<hbm>> -> memref<1x1x512xf32, #tpu.memory_space<hbm>>
    %dma_wait3A_331 = tpu.memref_squeeze %dma_wait3A_330 : memref<1x1x512xf32, #tpu.memory_space<hbm>> -> memref<512xf32, #tpu.memory_space<hbm>>
    %dma_wait3A_332 = arith.constant 4096 : i32
    %dma_wait3A_333 = tpu.memref_slice %arg12[%dma_wait3A_332] : memref<6144xf32, #tpu.memory_space<vmem>> -> memref<512xf32, #tpu.memory_space<vmem>>
    tpu.wait_dma2 semaphore(%arg17 : memref<!tpu.dma_semaphore, #tpu.memory_space<semaphore_mem>>) src(%dma_wait3A_333 : memref<512xf32, #tpu.memory_space<vmem>>) dst(%dma_wait3A_331 : memref<512xf32, #tpu.memory_space<hbm>>)
    %dma_wait3A_334 = arith.constant 2 : i32
    %dma_wait3A_335 = arith.constant 1 : i32
    %dma_wait3A_336 = arith.constant 4608 : i32
    %dma_wait3A_337 = tpu.memref_slice %arg12[%dma_wait3A_336] : memref<6144xf32, #tpu.memory_space<vmem>> -> memref<512xf32, #tpu.memory_space<vmem>>
    %dma_wait3A_338 = tpu.memref_slice %arg6[%dma_wait3A_334, %dma_wait3A_335, %mul3A_2] : memref<3x4x16384xf32, #tpu.memory_space<hbm>> -> memref<1x1x512xf32, #tpu.memory_space<hbm>>
    %dma_wait3A_339 = tpu.memref_squeeze %dma_wait3A_338 : memref<1x1x512xf32, #tpu.memory_space<hbm>> -> memref<512xf32, #tpu.memory_space<hbm>>
    %dma_wait3A_340 = tpu.memref_slice %arg6[%dma_wait3A_334, %dma_wait3A_335, %mul3A_2] : memref<3x4x16384xf32, #tpu.memory_space<hbm>> -> memref<1x1x512xf32, #tpu.memory_space<hbm>>
    %dma_wait3A_341 = tpu.memref_squeeze %dma_wait3A_340 : memref<1x1x512xf32, #tpu.memory_space<hbm>> -> memref<512xf32, #tpu.memory_space<hbm>>
    %dma_wait3A_342 = arith.constant 4608 : i32
    %dma_wait3A_343 = tpu.memref_slice %arg12[%dma_wait3A_342] : memref<6144xf32, #tpu.memory_space<vmem>> -> memref<512xf32, #tpu.memory_space<vmem>>
    tpu.wait_dma2 semaphore(%arg17 : memref<!tpu.dma_semaphore, #tpu.memory_space<semaphore_mem>>) src(%dma_wait3A_343 : memref<512xf32, #tpu.memory_space<vmem>>) dst(%dma_wait3A_341 : memref<512xf32, #tpu.memory_space<hbm>>)
    %dma_wait3A_344 = arith.constant 2 : i32
    %dma_wait3A_345 = arith.constant 2 : i32
    %dma_wait3A_346 = arith.constant 5120 : i32
    %dma_wait3A_347 = tpu.memref_slice %arg12[%dma_wait3A_346] : memref<6144xf32, #tpu.memory_space<vmem>> -> memref<512xf32, #tpu.memory_space<vmem>>
    %dma_wait3A_348 = tpu.memref_slice %arg6[%dma_wait3A_344, %dma_wait3A_345, %mul3A_2] : memref<3x4x16384xf32, #tpu.memory_space<hbm>> -> memref<1x1x512xf32, #tpu.memory_space<hbm>>
    %dma_wait3A_349 = tpu.memref_squeeze %dma_wait3A_348 : memref<1x1x512xf32, #tpu.memory_space<hbm>> -> memref<512xf32, #tpu.memory_space<hbm>>
    %dma_wait3A_350 = tpu.memref_slice %arg6[%dma_wait3A_344, %dma_wait3A_345, %mul3A_2] : memref<3x4x16384xf32, #tpu.memory_space<hbm>> -> memref<1x1x512xf32, #tpu.memory_space<hbm>>
    %dma_wait3A_351 = tpu.memref_squeeze %dma_wait3A_350 : memref<1x1x512xf32, #tpu.memory_space<hbm>> -> memref<512xf32, #tpu.memory_space<hbm>>
    %dma_wait3A_352 = arith.constant 5120 : i32
    %dma_wait3A_353 = tpu.memref_slice %arg12[%dma_wait3A_352] : memref<6144xf32, #tpu.memory_space<vmem>> -> memref<512xf32, #tpu.memory_space<vmem>>
    tpu.wait_dma2 semaphore(%arg17 : memref<!tpu.dma_semaphore, #tpu.memory_space<semaphore_mem>>) src(%dma_wait3A_353 : memref<512xf32, #tpu.memory_space<vmem>>) dst(%dma_wait3A_351 : memref<512xf32, #tpu.memory_space<hbm>>)
    %dma_wait3A_354 = arith.constant 2 : i32
    %dma_wait3A_355 = arith.constant 3 : i32
    %dma_wait3A_356 = arith.constant 5632 : i32
    %dma_wait3A_357 = tpu.memref_slice %arg12[%dma_wait3A_356] : memref<6144xf32, #tpu.memory_space<vmem>> -> memref<512xf32, #tpu.memory_space<vmem>>
    %dma_wait3A_358 = tpu.memref_slice %arg6[%dma_wait3A_354, %dma_wait3A_355, %mul3A_2] : memref<3x4x16384xf32, #tpu.memory_space<hbm>> -> memref<1x1x512xf32, #tpu.memory_space<hbm>>
    %dma_wait3A_359 = tpu.memref_squeeze %dma_wait3A_358 : memref<1x1x512xf32, #tpu.memory_space<hbm>> -> memref<512xf32, #tpu.memory_space<hbm>>
    %dma_wait3A_360 = tpu.memref_slice %arg6[%dma_wait3A_354, %dma_wait3A_355, %mul3A_2] : memref<3x4x16384xf32, #tpu.memory_space<hbm>> -> memref<1x1x512xf32, #tpu.memory_space<hbm>>
    %dma_wait3A_361 = tpu.memref_squeeze %dma_wait3A_360 : memref<1x1x512xf32, #tpu.memory_space<hbm>> -> memref<512xf32, #tpu.memory_space<hbm>>
    %dma_wait3A_362 = arith.constant 5632 : i32
    %dma_wait3A_363 = tpu.memref_slice %arg12[%dma_wait3A_362] : memref<6144xf32, #tpu.memory_space<vmem>> -> memref<512xf32, #tpu.memory_space<vmem>>
    tpu.wait_dma2 semaphore(%arg17 : memref<!tpu.dma_semaphore, #tpu.memory_space<semaphore_mem>>) src(%dma_wait3A_363 : memref<512xf32, #tpu.memory_space<vmem>>) dst(%dma_wait3A_361 : memref<512xf32, #tpu.memory_space<hbm>>)
    return
  }
}

</mosaic_0001>

<sc_bundles>
// kernel: _run.3.cloned.1.call-start
scs
__scs_entry_jumppad:
0x0: {  	(pc) =	sbr.rel $0x88, $3  }
0x1: {  	(tag) =	ssettag $0x0;
	lr =	simm.s32 $0x1  }
0x2: {  	[smem:$0x3F9D] =	sst lr;
	_ =	strace $0xD0000000  }
0x3: {  	_ = 	snop  }
0x4: {  	_ = 	snop  }
0x5: {  	_ = 	snop  }
0x6: {  	_ = 	snop  }
0x7: {  	_ = 	snop  }
__scs_overlays_trampoline_lowered:
0x8: {  	[smem:$0x3FAC] =	sst s0  }
0x9: {  	[smem:$0x3FAD] =	sst s1  }
0xa: {  	[smem:$0x3FAE] =	sst s2  }
0xb: {  	[smem:$0x3FAF] =	sst s3  }
0xc: {  	[smem:$0x3FB0] =	sst s4  }
0xd: {  	[smem:$0x3FB1] =	sst s5  }
0xe: {  	[smem:$0x3FB2] =	sst s6  }
0xf: {  	[smem:$0x3FB3] =	sst s7  }
0x10: {  	[smem:$0x3FB4] =	sst s8  }
0x11: {  	[smem:$0x3FB5] =	sst s9;
	s0 =	simm.s32 @!p0 $0x0  }
0x12: {  	s1 =	sld [smem:$0x3F9B];
	s0 =	simm.s32 @p0 $0x1  }
0x13: {  	[smem:$0x3FB6] =	sst s0;
	s0 =	simm.s32 @!p1 $0x0  }
0x14: {  	s2 =	sld [smem:$0x3F9A];
	s0 =	simm.s32 @p1 $0x1  }
0x15: {  	[smem:$0x3FB7] =	sst s0;
	s0 =	simm.s32 @!p2 $0x0  }
0x16: {  	s3 =	sld [smem:$0x3FDB];
	s0 =	simm.s32 @p2 $0x1  }
0x17: {  	s4 =	simm.s32 $0x1BF5;
	[smem:$0x3FB9] =	sst s0  }
0x18: {  	s0 =	sld [smem:$0x3F9C];
	_ =	swait.ge [sflag:s4], $0x0  }
0x19: {  	s7 =	sld [smem:$0x3F9D]  }
0x1a: {  	s8 =	sadd.s32 $0xFFFFE003, lr  }
0x1b: {  	s9 =	sadd.s32 $0xFFFFFEF7, lr;
	s5 =	simm.s32 $0xFFFFFFFF;
	p2 =	slt.u32 s8, $0xFFFFF086  }
0x1c: {  	p1 =	slt.u32 s9, $0xF7A;
	s5 =	simm.s32 @!p2 $0x0  }
0x1d: {  	s5 =	simm.s32 @p1 $0x1;
	p0 =	seq.s32 s7, s2  }
0x1e: {  	s7 =	smul.u32 @!p0 $0xF7A, s2;
	p2 =	seq.s32 @!p0 s5, $0x0  }
0x1f: {  	s9 =	smul.u32 $0xF7A, s1;
	s8 =	simm.s32 @!p0 $0x1BF5;
	p2 =	por !p2, p0  }
0x20: {  	[sflag:s8] =	ssyncset.s32 @!p0 $0xFFFFF086;
	s6 =	sadd.s32 @!p0 s3, s7;
	s7 =	simm.s32 @!p0 $0x108  }
0x21: {  	s3 =	sadd.s32 s3, s9;
	s6 =	sadd.s32 @!p0 $0x88, s6;
	s7 =	simm.s32 @p2 $0x1082  }
0x22: {  	[simem:s7], [sflag:s8] =	dma.local @!p0 [hbm:s6], $0xF7A  }
0x23: {  	s9 =	sor.u32 $0xD0000000, s2;
	s6 =	simm.s32 $0x108;
	_ =	swait.ge @!p0 [sflag:s8], $0x0  }
0x24: {  	s3 =	sadd.s32 $0x88, s3;
	s6 =	simm.s32 @!p1 $0x1082;
	[sflag:s4] =	ssyncset.s32 $0xFFFFF086  }
0x25: {  	[simem:s6], [sflag:s4] =	dma.local [hbm:s3], $0xF7A  }
0x26: {  	[smem:$0x3F9D] =	sst s1;
	(tag) =	ssettag s2;
	_ =	strace s9  }
0x27: {  	s1 =	sld [smem:$0x3FAD]  }
0x28: {  	s2 =	sld [smem:$0x3FAE]  }
0x29: {  	s4 =	sld [smem:$0x3FB0]  }
0x2a: {  	p0 =	seq.s32 s5, $0x0;
	s5 =	sld [smem:$0x3FB1]  }
0x2b: {  	s6 =	sld [smem:$0x3FB2]  }
0x2c: {  	s7 =	sld [smem:$0x3FB3]  }
0x2d: {  	s3 =	simm.s32 $0x108;
	s8 =	sld [smem:$0x3FB4]  }
0x2e: {  	s3 =	simm.s32 @!p0 $0x1082;
	s9 =	sld [smem:$0x3FB5]  }
0x2f: {  	lr =	sadd.s32 s0, s3;
	s0 =	sld [smem:$0x3FAC]  }
0x30: {  	s3 =	sld [smem:$0x3FAF]  }
0x31: {  	[smem:$0x3FB8] =	sst s10  }
0x32: {  	s10 =	sld [smem:$0x3FB6];
	_ =	sdelay $0x3  }
0x33: {  	p0 =	seq.s32 s10, $0x1;
	s10 =	sld [smem:$0x3FB8];
	_ =	sdelay $0x3  }
0x34: {  	[smem:$0x3FB8] =	sst s10  }
0x35: {  	s10 =	sld [smem:$0x3FB7];
	_ =	sdelay $0x3  }
0x36: {  	p1 =	seq.s32 s10, $0x1;
	s10 =	sld [smem:$0x3FB8];
	_ =	sdelay $0x3  }
0x37: {  	[smem:$0x3FB8] =	sst s10  }
0x38: {  	s10 =	sld [smem:$0x3FB9]  }
0x39: {  	_ = 	snop;
	(pc) =	sbr.ind lr, $3  }
0x3a: {  	_ = 	snop  }
0x3b: {  	_ = 	snop  }
0x3c: {  	p2 =	seq.s32 s10, $0x1;
	s10 =	sld [smem:$0x3FB8]  }
0x3d: {  	_ =	shalt  }
0x3e: {  	_ =	shalt  }
0x3f: {  	_ =	shalt  }
0x40: {  	_ =	shalt  }
0x41: {  	_ =	shalt  }
0x42: {  	_ =	shalt  }
0x43: {  	_ =	shalt  }
0x44: {  	_ =	shalt  }
0x45: {  	_ =	shalt  }
0x46: {  	_ =	shalt  }
0x47: {  	_ =	shalt  }
0x48: {  	_ =	shalt  }
0x49: {  	_ =	shalt  }
0x4a: {  	_ =	shalt  }
0x4b: {  	_ =	shalt  }
0x4c: {  	_ =	shalt  }
0x4d: {  	_ =	shalt  }
0x4e: {  	_ =	shalt  }
0x4f: {  	_ =	shalt  }
0x50: {  	_ =	shalt  }
0x51: {  	_ =	shalt  }
0x52: {  	_ =	shalt  }
0x53: {  	_ =	shalt  }
0x54: {  	_ =	shalt  }
0x55: {  	_ =	shalt  }
0x56: {  	_ =	shalt  }
0x57: {  	_ =	shalt  }
0x58: {  	_ =	shalt  }
0x59: {  	_ =	shalt  }
0x5a: {  	_ =	shalt  }
0x5b: {  	_ =	shalt  }
0x5c: {  	_ =	shalt  }
0x5d: {  	_ =	shalt  }
0x5e: {  	_ =	shalt  }
0x5f: {  	_ =	shalt  }
0x60: {  	_ =	shalt  }
0x61: {  	_ =	shalt  }
0x62: {  	_ =	shalt  }
0x63: {  	_ =	shalt  }
0x64: {  	_ =	shalt  }
0x65: {  	_ =	shalt  }
0x66: {  	_ =	shalt  }
0x67: {  	_ =	shalt  }
0x68: {  	_ =	shalt  }
0x69: {  	_ =	shalt  }
0x6a: {  	_ =	shalt  }
0x6b: {  	_ =	shalt  }
0x6c: {  	_ =	shalt  }
0x6d: {  	_ =	shalt  }
0x6e: {  	_ =	shalt  }
0x6f: {  	_ =	shalt  }
0x70: {  	_ =	shalt  }
0x71: {  	_ =	shalt  }
0x72: {  	_ =	shalt  }
0x73: {  	_ =	shalt  }
0x74: {  	_ =	shalt  }
0x75: {  	_ =	shalt  }
0x76: {  	_ =	shalt  }
0x77: {  	_ =	shalt  }
0x78: {  	_ =	shalt  }
0x79: {  	_ =	shalt  }
0x7a: {  	_ =	shalt  }
0x7b: {  	_ =	shalt  }
0x7c: {  	_ =	shalt  }
0x7d: {  	_ =	shalt  }
0x7e: {  	_ =	shalt  }
0x7f: {  	_ =	shalt  }
0x80: {  	_ =	shalt  }
0x81: {  	_ =	shalt  }
0x82: {  	_ =	shalt  }
0x83: {  	_ =	shalt  }
0x84: {  	_ =	shalt  }
0x85: {  	_ =	shalt  }
0x86: {  	_ =	shalt  }
0x87: {  	_ =	shalt  }
.Lfunc_end0:
.L_simem_size_0:
called_computation_lowered:
.L_overlay_start_0:
0x88: {  	s2 =	sld [smem:$0x3FD9]  }
0x89: {  	s3 =	sld [smem:$0x3FFE];
	_ =	sdelay $0x1  }
0x8a: {  	s1 =	srdreg.scid  }
0x8b: {  	s0 =	sand.u32 $0x1, s1  }
0x8c: {  	s18 =	sshll.u32 s0, $0xA;
	s2 =	sadd.s32 s3, s2  }
0x8d: {  	s2 =	sadd.s32 s2, s18  }
0x8e: {  	[smem:$0x3FC4] =	sst s2  }
0x8f: {  	_ = 	snop  }
0x90: {  	s2 =	sld [smem:$0x3FC9]  }
0x91: {  	s19 =	sld [smem:$0x3FC8]  }
0x92: {  	s4 =	sld [smem:$0x3FC7]  }
0x93: {  	s5 =	sld [smem:$0x3FC6]  }
0x94: {  	s6 =	sld [smem:$0x3FD0];
	(tm) =	ssettm $0x1  }
0x95: {  	s7 =	sld [smem:$0x3FFB];
	_ =	sdelay $0x3  }
0x96: {  	_ =	strace s7  }
0x97: {  	s7 =	sld [smem:$0x3FFC];
	_ =	sdelay $0x3  }
0x98: {  	_ =	strace s7  }
0x99: {  	s7 =	sld [smem:$0x3FFD];
	_ =	sdelay $0x3  }
0x9a: {  	_ =	strace s7  }
0x9b: {  	_ =	strace $0x8FFFFFFF  }
0x9c: {  	s20 =	sld [smem:$0x3FDB];
	_ =	sdelay $0x1  }
0x9d: {  	s8 =	simm.s32 $_scs_section_size  }
0x9e: {  	s9 =	simm.s32 $_size__tile_overlayer_lowered;
	s10 =	simm.s32 $_tile_overlayer_lowered  }
0x9f: {  	s23 =	simm.s32 $0x1BFF;
	s22 =	sshll.u32 s10, $0x1;
	s7 =	sadd.s32 s8, s20  }
0xa0: {  	s11 =	simm.s32 $0x0;
	s21 =	sshll.u32 s9, $0x1;
	s9 =	sadd.s32 s22, s7  }
0xa1: {  	[timem:s11], [sflag:s23] =	dma.local [hbm:s9], s21  }
0xa2: {  	_ =	swait.ge [sflag:s23], s21  }
0xa3: {  	s8 =	ssub.s32 $0x0, s21;
	[sflag:s23] =	ssyncset.done $0x0  }
0xa4: {  	[sflag:s23] =	ssyncadd.s32 s8;
	_ =	sdelay $0x1  }
0xa5: {  	s24 =	simm.s32 $0x1B8B  }
0xa6: {  	_ =	swait.ge [sflag:s24], $0x1  }
0xa7: {  	[sflag:s24] =	ssyncset.done $0x0  }
0xa8: {  	s25 =	simm.s32 $0x1B8E;
	[sflag:s24] =	ssyncadd.s32 $0xFFFFFFFF  }
0xa9: {  	s26 =	simm.s32 $execute0_lowered;
	[smem:$0x3FD2] =	sst s25  }
0xaa: {  	s8 =	sshll.u32 s26, $0x1;
	_ =	strace $0x80000046;
	[dreg:$0x1] =	wrdreg $0xFFFFFFFF  }
0xab: {  	s28 =	simm.s32 $_size_execute0_lowered;
	s7 =	sadd.s32 s7, s8;
	[dreg:$0x0] =	wrdreg $0x0  }
0xac: {  	s8 =	sshll.u32 s28, $0x1;
	[dreg:$0x2] =	wrdreg s7  }
0xad: {  	[dreg:$0x3] =	wrdreg s8  }
0xae: {  	[dreg:$0x4] =	wrdreg $0xC0  }
0xaf: {  	_ =	task [dreg:s11], $0x5FFFF  }
0xb0: {  	[dreg:$0x1] =	wrdreg $0xFFFFFFFF  }
0xb1: {  	[dreg:$0x0] =	wrdreg $0x60  }
0xb2: {  	[dreg:$0x2] =	wrdreg s2  }
0xb3: {  	[dreg:$0x3] =	wrdreg s19  }
0xb4: {  	[dreg:$0x4] =	wrdreg s4  }
0xb5: {  	[dreg:$0x5] =	wrdreg s5  }
0xb6: {  	[dreg:$0x6] =	wrdreg s6  }
0xb7: {  	[dreg:$0x7] =	wrdreg $0x9  }
0xb8: {  	_ =	task.clear_ibuf [dreg:s11], $0x8FFFF;
	_ =	strace $0x90000046  }
0xb9: {  	s29 =	simm.s32 $0x9;
	_ =	strace $0x80000048  }
0xba: {  	_ =	swait.ge [sflag:s29], $0x1  }
0xbb: {  	[sflag:s29] =	ssyncadd.s32 $0xFFFFFFFF  }
0xbc: {  	_ =	strace $0x90000048  }
0xbd: {  	_ =	sfence  }
0xbe: {  	s30 =	sld [smem:$0x0];
	_ =	sdelay $0x2  }
0xbf: {  	s31 =	sshll.u32 s1, $0xD;
	s1 =	sshrl.u32 s1, $0x2  }
0xc0: {  	s3 =	sand.u32 $0x4000, s31;
	s1 =	sadd.s32 s1, s30  }
0xc1: {  	s0 =	sor.u32 s3, s0;
	s1 =	sshll.u32 s1, $0x11  }
0xc2: {  	s0 =	sor.u32 s1, s0  }
0xc3: {  	s0 =	sadd.s32 $0x8F2B, s0  }
0xc4: {  	[sflag:s0] =	ssyncadd.remote.s32 $0x1  }
0xc5: {  	_ =	sfence.sel $0xFFFF  }
0xc6: {  	[dreg:$0x0] =	wrdreg $0xFFFFFFFF;
	(pc) =	sbr.abs _section_cstart, $3  }
0xc7: {  	[dreg:$0x1] =	wrdreg $0xFFFFFFFF  }
0xc8: {  	_ =	task.clear_ibuf [dreg:s11], $0x2FFFF;
	_ =	strace $0x9FFFFFFF  }
0xc9: {  	(tm) =	ssettm $0x7FFFFFFF  }
tec
execute0_lowered:
.L_overlay_start_1:
0x0: {  	(tag) =	ssettag $0x1  }
0x1: {  	s0 =	rddreg [dreg:$0x0]  }
0x2: {  	s1 =	rddreg [dreg:$0x1]  }
0x3: {  	s2 =	rddreg [dreg:$0x4]  }
0x4: {  	s3 =	srdreg.scid;
	s5 =	stileid.u32;
	s4 =	simm.s32 $0x0  }
0x5: {  	s28 =	simm.s32 $0x500;
	s29 =	simm.s32 $0x510;
	s3 =	sand.u32 $0x1, s3  }
0x6: {  	s30 =	simm.s32 $0x520;
	s5 =	sshll.u32 s5, $0xA;
	s6 =	sshll.u32 s3, $0x9  }
0x7: {  	s31 =	simm.s32 $0x530;
	s8 =	simm.s32 $0x5A0;
	s5 =	sor.u32 s6, s5  }
0x8: {  	s9 =	simm.s32 $0x5B0;
	[smem:$0x7FF] =	sst s4;
	s15 =	sshrl.u32 s5, $0x3  }
0x9: {  	_ =	strace $0x80000047;
	s7 =	sshrl.u32 s5, $0x1;
	s0 =	sadd.s32 s0, s15  }
0xa: {  	s5 =	sadd.s32 s2, s7;
	s16 =	sadd.s32 s1, s15;
	[dreg:$0x6] =	wrdreg s0  }
0xb: {  	s10 =	simm.s32 $0x80;
	[dreg:$0x7] =	wrdreg s16;
	s17 =	sadd.s32 $0x10, s5  }
0xc: {  	s11 =	simm.s32 $0x5;
	s18 =	sadd.s32 $0x20, s5;
	[dreg:$0x8] =	wrdreg s17  }
0xd: {  	s12 =	simm.s32 $0x0;
	s19 =	sadd.s32 $0x30, s5;
	[dreg:$0x9] =	wrdreg s18  }
0xe: {  	s3 =	ssub.s32 $0x2, s3;
	s20 =	sadd.s32 $0x2000, s5;
	[dreg:$0xa] =	wrdreg s19  }
0xf: {  	s14 =	sshrl.u32 s3, $0x1;
	s21 =	sadd.s32 $0x2010, s5;
	[dreg:$0xb] =	wrdreg s20  }
0x10: {  	s6 =	simm.s32 $0x580;
	s22 =	sadd.s32 $0x2020, s5;
	[dreg:$0xc] =	wrdreg s21  }
0x11: {  	s3 =	ssub.s32 s3, s14;
	s23 =	sadd.s32 $0x2030, s5;
	[dreg:$0xd] =	wrdreg s22  }
0x12: {  	v0 =	vlaneseq.u32;
	s2 =	simm.s32 $0x550;
	s24 =	sadd.s32 $0x4000, s5;
	[dreg:$0xe] =	wrdreg s23  }
0x13: {  	v0 =	vmul.u32 $0xC, v0;
	s1 =	simm.s32 $0x560;
	s25 =	sadd.s32 $0x4010, s5;
	[dreg:$0xf] =	wrdreg s24  }
0x14: {  	s7 =	simm.s32 $0x590;
	s26 =	sadd.s32 $0x4020, s5;
	[dreg:$0x10] =	wrdreg s25  }
0x15: {  	v1 =	vor.u32 $0x1, v0;
	v2 =	vor.u32 $0x2, v0;
	s0 =	simm.s32 $0x540;
	[dreg:$0x11] =	wrdreg s26;
	s18 =	sadd.s32 $0x4030, s5  }
0x16: {  	v3 =	vor.u32 $0x3, v0;
	v4 =	vadd.s32 $0x4, v0;
	v5 =	vadd.s32 $0x5, v0;
	s19 =	smax.u32 s3, $0x1;
	s20 =	simm.s32 $0x200;
	s21 =	simm.s32 $0x600  }
0x17: {  	v6 =	vadd.s32 $0x6, v0;
	v7 =	vadd.s32 $0x7, v0;
	v8 =	vadd.s32 $0x8, v0;
	s22 =	simm.s32 $0x400;
	s23 =	simm.s32 $0x4;
	s24 =	simm.s32 $0x3  }
0x18: {  	v9 =	vadd.s32 $0x9, v0;
	v10 =	vadd.s32 $0xA, v0;
	v11 =	vadd.s32 $0xB, v0;
	s25 =	simm.s32 $0x1;
	s26 =	simm.s32 $0x2;
	s3 =	simm.s32 $0x570  }
.LBB2_1:
0x19: {  	s13 =	rddreg [dreg:$0x6]  }
0x1a: {  	[tilespmem:s4], [sflag:$0x1] =	stream.linear.gather [hbm4b:s13+s4], $0x200, $0x38;
	[tilespmem:$0x1E80] =	vst v63  }
0x1b: {  	s15 =	rddreg [dreg:$0x7]  }
0x1c: {  	[tilespmem:s20], [sflag:$0x2] =	stream.linear.gather [hbm4b:s15+s4], $0x200, $0x38;
	[tilespmem:$0x1E80] =	vst v63  }
0x1d: {  	s16 =	rddreg [dreg:$0x3]  }
0x1e: {  	[tilespmem:s21], [sflag:$0x4] =	stream.linear.gather [hbm4b:s16+s4], $0x80, $0x38;
	[tilespmem:$0x1E80] =	vst v63  }
0x1f: {  	s17 =	rddreg [dreg:$0x2]  }
0x20: {  	[tilespmem:s22], [sflag:$0x3] =	stream.linear.gather [hbm4b:s17+s4], $0x100, $0x38;
	[tilespmem:$0x1E80] =	vst v63  }
0x21: {  	_ =	swait.ge [sflag:s23], $0x80  }
0x22: {  	[sflag:s23] =	ssyncset.done $0x0  }
0x23: {  	[sflag:s23] =	ssyncadd.s32 $0xFFFFFF80  }
0x24: {  	v12 =	vld.msk [tilespmem:s21+$0x0], $0xffff;
	_ =	swait.ge [sflag:s24], $0x100  }
0x25: {  	[sflag:s24] =	ssyncset.done $0x0  }
0x26: {  	[sflag:s24] =	ssyncadd.s32 $0xFFFFFF00  }
0x27: {  	v13 =	vld.idx.msk [tilespmem:v0+s22+$0x0], $0xffff;
	_ =	sdelay $0x4  }
0x28: {  	[tilespmem:$0x500] =	vst v13  }
0x29: {  	v13 =	vld.idx.msk [tilespmem:v1+s22+$0x0], $0xffff;
	_ =	sdelay $0x4  }
0x2a: {  	[tilespmem:$0x510] =	vst v13  }
0x2b: {  	v13 =	vld.idx.msk [tilespmem:v2+s22+$0x0], $0xffff;
	_ =	sdelay $0x4  }
0x2c: {  	[tilespmem:$0x520] =	vst v13  }
0x2d: {  	v13 =	vld.idx.msk [tilespmem:v3+s22+$0x0], $0xffff;
	_ =	sdelay $0x4  }
0x2e: {  	[tilespmem:$0x530] =	vst v13  }
0x2f: {  	v13 =	vld.idx.msk [tilespmem:v4+s22+$0x0], $0xffff;
	_ =	sdelay $0x4  }
0x30: {  	[tilespmem:$0x540] =	vst v13  }
0x31: {  	v13 =	vld.idx.msk [tilespmem:v5+s22+$0x0], $0xffff;
	_ =	sdelay $0x4  }
0x32: {  	[tilespmem:$0x550] =	vst v13  }
0x33: {  	v13 =	vld.idx.msk [tilespmem:v6+s22+$0x0], $0xffff;
	_ =	sdelay $0x4  }
0x34: {  	[tilespmem:$0x560] =	vst v13  }
0x35: {  	v13 =	vld.idx.msk [tilespmem:v7+s22+$0x0], $0xffff;
	_ =	sdelay $0x4  }
0x36: {  	[tilespmem:$0x570] =	vst v13  }
0x37: {  	v13 =	vld.idx.msk [tilespmem:v8+s22+$0x0], $0xffff;
	_ =	sdelay $0x4  }
0x38: {  	[tilespmem:$0x580] =	vst v13  }
0x39: {  	v13 =	vld.idx.msk [tilespmem:v9+s22+$0x0], $0xffff;
	_ =	sdelay $0x4  }
0x3a: {  	[tilespmem:$0x590] =	vst v13  }
0x3b: {  	v13 =	vld.idx.msk [tilespmem:v10+s22+$0x0], $0xffff;
	_ =	sdelay $0x4  }
0x3c: {  	[tilespmem:$0x5A0] =	vst v13  }
0x3d: {  	v13 =	vld.idx.msk [tilespmem:v11+s22+$0x0], $0xffff;
	_ =	sdelay $0x4  }
0x3e: {  	[tilespmem:$0x5B0] =	vst v13  }
0x3f: {  	_ =	swait.ge [sflag:s25], $0x200  }
0x40: {  	[sflag:s25] =	ssyncset.done $0x0  }
0x41: {  	[sflag:s25] =	ssyncadd.s32 $0xFFFFFE00  }
0x42: {  	_ =	swait.ge [sflag:s26], $0x200  }
0x43: {  	s14 =	simm.s32 $0x210;
	s13 =	simm.s32 $0x1290;
	[sflag:s26] =	ssyncset.done $0x0  }
0x44: {  	s15 =	simm.s32 $0x10;
	s16 =	simm.s32 $0x0;
	[sflag:s26] =	ssyncadd.s32 $0xFFFFFE00  }
.LBB2_2:
0x45: {  	v13 =	vld [tilespmem:s15+$0xFFFFFFF0];
	_ =	sdelay $0x5  }
0x46: {  	v14 =	vld [tilespmem:s14+$0xFFFFFFF0];
	_ =	sdelay $0x1  }
0x47: {  	v15 =	vld.idx.msk [tilespmem:v13+s28+$0x0], $0xffff;
	_ =	sdelay $0x2  }
0x48: {  	v14 =	vmul.f32 v14, v12;
	_ =	sdelay $0x1  }
0x49: {  	v15 =	vadd.f32 v14, v15;
	_ =	sdelay $0x1  }
0x4a: {  	[tilespmem:s13+$0xFFFFF3F0] =	vst v15  }
0x4b: {  	v15 =	vld.idx.msk [tilespmem:v13+s29+$0x0], $0xffff;
	_ =	sdelay $0x4  }
0x4c: {  	v15 =	vadd.f32 v15, v14  }
0x4d: {  	s17 =	sand.u32 $0x1E0, s16  }
0x4e: {  	[tilespmem:s17+$0x880] =	vst v15  }
0x4f: {  	v15 =	vld.idx.msk [tilespmem:v13+s30+$0x0], $0xffff;
	_ =	sdelay $0x4  }
0x50: {  	v15 =	vadd.f32 v15, v14;
	_ =	sdelay $0x1  }
0x51: {  	[tilespmem:s17+$0xA80] =	vst v15  }
0x52: {  	v15 =	vld.idx.msk [tilespmem:v13+s31+$0x0], $0xffff;
	_ =	sdelay $0x4  }
0x53: {  	v15 =	vadd.f32 v15, v14;
	_ =	sdelay $0x1  }
0x54: {  	[tilespmem:s17+$0xC80] =	vst v15  }
0x55: {  	v15 =	vld.idx.msk [tilespmem:v13+s0+$0x0], $0xffff;
	_ =	sdelay $0x4  }
0x56: {  	v15 =	vadd.f32 v15, v14;
	_ =	sdelay $0x1  }
0x57: {  	[tilespmem:s17+$0xE80] =	vst v15  }
0x58: {  	v15 =	vld.idx.msk [tilespmem:v13+s2+$0x0], $0xffff;
	_ =	sdelay $0x4  }
0x59: {  	v15 =	vadd.f32 v15, v14;
	_ =	sdelay $0x1  }
0x5a: {  	[tilespmem:s17+$0x1080] =	vst v15  }
0x5b: {  	v15 =	vld.idx.msk [tilespmem:v13+s1+$0x0], $0xffff;
	_ =	sdelay $0x4  }
0x5c: {  	v15 =	vadd.f32 v15, v14;
	_ =	sdelay $0x1  }
0x5d: {  	[tilespmem:s17+$0x1280] =	vst v15  }
0x5e: {  	v15 =	vld.idx.msk [tilespmem:v13+s3+$0x0], $0xffff;
	_ =	sdelay $0x4  }
0x5f: {  	v15 =	vadd.f32 v15, v14;
	_ =	sdelay $0x1  }
0x60: {  	[tilespmem:s17+$0x1480] =	vst v15  }
0x61: {  	v15 =	vld.idx.msk [tilespmem:v13+s6+$0x0], $0xffff;
	_ =	sdelay $0x4  }
0x62: {  	v15 =	vadd.f32 v15, v14;
	_ =	sdelay $0x1  }
0x63: {  	[tilespmem:s17+$0x1680] =	vst v15  }
0x64: {  	v15 =	vld.idx.msk [tilespmem:v13+s7+$0x0], $0xffff;
	_ =	sdelay $0x4  }
0x65: {  	v15 =	vadd.f32 v15, v14;
	_ =	sdelay $0x1  }
0x66: {  	[tilespmem:s17+$0x1880] =	vst v15  }
0x67: {  	v15 =	vld.idx.msk [tilespmem:v13+s8+$0x0], $0xffff;
	_ =	sdelay $0x4  }
0x68: {  	v15 =	vadd.f32 v15, v14;
	_ =	sdelay $0x1  }
0x69: {  	[tilespmem:s17+$0x1A80] =	vst v15  }
0x6a: {  	v13 =	vld.idx.msk [tilespmem:v13+s9+$0x0], $0xffff;
	_ =	sdelay $0x4  }
0x6b: {  	v13 =	vadd.f32 v13, v14;
	_ =	sdelay $0x1  }
0x6c: {  	[tilespmem:s17+$0x1C80] =	vst v13  }
0x6d: {  	v13 =	vld [tilespmem:s15+$0x0];
	_ =	sdelay $0x5  }
0x6e: {  	v14 =	vld [tilespmem:s14+$0x0];
	_ =	sdelay $0x1  }
0x6f: {  	v15 =	vld.idx.msk [tilespmem:v13+s28+$0x0], $0xffff;
	_ =	sdelay $0x2  }
0x70: {  	v14 =	vmul.f32 v14, v12;
	_ =	sdelay $0x1  }
0x71: {  	v15 =	vadd.f32 v14, v15;
	_ =	sdelay $0x1  }
0x72: {  	[tilespmem:s13+$0xFFFFF400] =	vst v15  }
0x73: {  	v15 =	vld.idx.msk [tilespmem:v13+s29+$0x0], $0xffff;
	_ =	sdelay $0x4  }
0x74: {  	v15 =	vadd.f32 v15, v14;
	_ =	sdelay $0x1  }
0x75: {  	[tilespmem:s13+$0xFFFFF600] =	vst v15  }
0x76: {  	v15 =	vld.idx.msk [tilespmem:v13+s30+$0x0], $0xffff;
	_ =	sdelay $0x4  }
0x77: {  	v15 =	vadd.f32 v15, v14;
	_ =	sdelay $0x1  }
0x78: {  	[tilespmem:s13+$0xFFFFF800] =	vst v15  }
0x79: {  	v15 =	vld.idx.msk [tilespmem:v13+s31+$0x0], $0xffff;
	_ =	sdelay $0x4  }
0x7a: {  	v15 =	vadd.f32 v15, v14;
	_ =	sdelay $0x1  }
0x7b: {  	[tilespmem:s13+$0xFFFFFA00] =	vst v15  }
0x7c: {  	v15 =	vld.idx.msk [tilespmem:v13+s0+$0x0], $0xffff;
	_ =	sdelay $0x4  }
0x7d: {  	v15 =	vadd.f32 v15, v14;
	_ =	sdelay $0x1  }
0x7e: {  	[tilespmem:s13+$0xFFFFFC00] =	vst v15  }
0x7f: {  	v15 =	vld.idx.msk [tilespmem:v13+s2+$0x0], $0xffff;
	_ =	sdelay $0x4  }
0x80: {  	v15 =	vadd.f32 v15, v14;
	_ =	sdelay $0x1  }
0x81: {  	[tilespmem:s13+$0xFFFFFE00] =	vst v15  }
0x82: {  	v15 =	vld.idx.msk [tilespmem:v13+s1+$0x0], $0xffff;
	_ =	sdelay $0x4  }
0x83: {  	v15 =	vadd.f32 v15, v14;
	_ =	sdelay $0x1  }
0x84: {  	[tilespmem:s13+$0x0] =	vst v15  }
0x85: {  	v15 =	vld.idx.msk [tilespmem:v13+s3+$0x0], $0xffff;
	_ =	sdelay $0x4  }
0x86: {  	v15 =	vadd.f32 v15, v14;
	_ =	sdelay $0x1  }
0x87: {  	[tilespmem:s13+$0x200] =	vst v15  }
0x88: {  	v15 =	vld.idx.msk [tilespmem:v13+s6+$0x0], $0xffff;
	_ =	sdelay $0x4  }
0x89: {  	v15 =	vadd.f32 v15, v14;
	_ =	sdelay $0x1  }
0x8a: {  	[tilespmem:s13+$0x400] =	vst v15  }
0x8b: {  	v15 =	vld.idx.msk [tilespmem:v13+s7+$0x0], $0xffff;
	_ =	sdelay $0x4  }
0x8c: {  	v15 =	vadd.f32 v15, v14;
	_ =	sdelay $0x1  }
0x8d: {  	[tilespmem:s13+$0x600] =	vst v15  }
0x8e: {  	v15 =	vld.idx.msk [tilespmem:v13+s8+$0x0], $0xffff;
	_ =	sdelay $0x4  }
0x8f: {  	v15 =	vadd.f32 v15, v14;
	_ =	sdelay $0x1  }
0x90: {  	[tilespmem:s13+$0x800] =	vst v15  }
0x91: {  	v13 =	vld.idx.msk [tilespmem:v13+s9+$0x0], $0xffff;
	_ =	sdelay $0x1  }
0x92: {  	p0 =	sne.s32 s16, $0x1E0  }
.Ltmp0:
0x93: {  	_ = 	snop;
	(pc) =	sbr.rel @p0 .LBB2_2-.Ltmp0, $4  }
0x94: {  	_ = 	snop  }
0x95: {  	v13 =	vadd.f32 v13, v14  }
0x96: {  	s16 =	sadd.s32 $0x20, s16  }
0x97: {  	s14 =	sadd.s32 $0x20, s14;
	s15 =	sadd.s32 $0x20, s15;
	[tilespmem:s13+$0xA00] =	vst v13;
	s13 =	sadd.s32 $0x20, s13  }
0x98: {  	s13 =	simm.s32 $0x680  }
0x99: {  	[hbm4b:s5+s10] =	stream.strided.scatter [tilespmem:s13], [sflag:$0x5], $0x200, s20, s10, $0x38;
	[tilespmem:$0x1E80] =	vst v63  }
0x9a: {  	s17 =	rddreg [dreg:$0x8];
	s14 =	simm.s32 $0x880  }
0x9b: {  	[hbm4b:s17+s10] =	stream.strided.scatter [tilespmem:s14], [sflag:$0x5], $0x200, s20, s10, $0x38;
	[tilespmem:$0x1E80] =	vst v63  }
0x9c: {  	s15 =	simm.s32 $0xA80;
	s14 =	rddreg [dreg:$0x9]  }
0x9d: {  	[hbm4b:s14+s10] =	stream.strided.scatter [tilespmem:s15], [sflag:$0x5], $0x200, s20, s10, $0x38;
	[tilespmem:$0x1E80] =	vst v63  }
0x9e: {  	s16 =	rddreg [dreg:$0xa];
	s17 =	simm.s32 $0xC80  }
0x9f: {  	[hbm4b:s16+s10] =	stream.strided.scatter [tilespmem:s17], [sflag:$0x5], $0x200, s20, s10, $0x38;
	[tilespmem:$0x1E80] =	vst v63  }
0xa0: {  	s14 =	rddreg [dreg:$0xb];
	s15 =	simm.s32 $0xE80  }
0xa1: {  	[hbm4b:s14+s10] =	stream.strided.scatter [tilespmem:s15], [sflag:$0x5], $0x200, s20, s10, $0x38;
	[tilespmem:$0x1E80] =	vst v63  }
0xa2: {  	s16 =	rddreg [dreg:$0xc];
	s17 =	simm.s32 $0x1080  }
0xa3: {  	[hbm4b:s16+s10] =	stream.strided.scatter [tilespmem:s17], [sflag:$0x5], $0x200, s20, s10, $0x38;
	[tilespmem:$0x1E80] =	vst v63  }
0xa4: {  	s14 =	rddreg [dreg:$0xd];
	s15 =	simm.s32 $0x1280  }
0xa5: {  	[hbm4b:s14+s10] =	stream.strided.scatter [tilespmem:s15], [sflag:$0x5], $0x200, s20, s10, $0x38;
	[tilespmem:$0x1E80] =	vst v63  }
0xa6: {  	s16 =	rddreg [dreg:$0xe];
	s17 =	simm.s32 $0x1480  }
0xa7: {  	[hbm4b:s16+s10] =	stream.strided.scatter [tilespmem:s17], [sflag:$0x5], $0x200, s20, s10, $0x38;
	[tilespmem:$0x1E80] =	vst v63  }
0xa8: {  	s14 =	rddreg [dreg:$0xf];
	s15 =	simm.s32 $0x1680  }
0xa9: {  	[hbm4b:s14+s10] =	stream.strided.scatter [tilespmem:s15], [sflag:$0x5], $0x200, s20, s10, $0x38;
	[tilespmem:$0x1E80] =	vst v63  }
0xaa: {  	s16 =	rddreg [dreg:$0x10];
	s17 =	simm.s32 $0x1880  }
0xab: {  	[hbm4b:s16+s10] =	stream.strided.scatter [tilespmem:s17], [sflag:$0x5], $0x200, s20, s10, $0x38;
	[tilespmem:$0x1E80] =	vst v63  }
0xac: {  	s15 =	rddreg [dreg:$0x11];
	s16 =	simm.s32 $0x1A80  }
0xad: {  	[hbm4b:s15+s10] =	stream.strided.scatter [tilespmem:s16], [sflag:$0x5], $0x200, s20, s10, $0x38;
	[tilespmem:$0x1E80] =	vst v63  }
0xae: {  	s17 =	simm.s32 $0x1C80  }
0xaf: {  	[hbm4b:s18+s10] =	stream.strided.scatter [tilespmem:s17], [sflag:$0x5], $0x200, s20, s10, $0x38;
	[tilespmem:$0x1E80] =	vst v63  }
0xb0: {  	_ =	swait.ge [sflag:s11], $0x200  }
0xb1: {  	[sflag:s11] =	ssyncset.done $0x0  }
0xb2: {  	[sflag:s11] =	ssyncadd.s32 $0xFFFFFE00  }
0xb3: {  	_ =	swait.ge [sflag:s11], $0x200  }
0xb4: {  	[sflag:s11] =	ssyncset.done $0x0  }
0xb5: {  	[sflag:s11] =	ssyncadd.s32 $0xFFFFFE00  }
0xb6: {  	_ =	swait.ge [sflag:s11], $0x200  }
0xb7: {  	[sflag:s11] =	ssyncset.done $0x0  }
0xb8: {  	[sflag:s11] =	ssyncadd.s32 $0xFFFFFE00  }
0xb9: {  	_ =	swait.ge [sflag:s11], $0x200  }
0xba: {  	[sflag:s11] =	ssyncset.done $0x0  }
0xbb: {  	[sflag:s11] =	ssyncadd.s32 $0xFFFFFE00  }
0xbc: {  	_ =	swait.ge [sflag:s11], $0x200  }
0xbd: {  	[sflag:s11] =	ssyncset.done $0x0  }
0xbe: {  	[sflag:s11] =	ssyncadd.s32 $0xFFFFFE00  }
0xbf: {  	_ =	swait.ge [sflag:s11], $0x200  }
0xc0: {  	[sflag:s11] =	ssyncset.done $0x0  }
0xc1: {  	[sflag:s11] =	ssyncadd.s32 $0xFFFFFE00  }
0xc2: {  	_ =	swait.ge [sflag:s11], $0x200  }
0xc3: {  	[sflag:s11] =	ssyncset.done $0x0  }
0xc4: {  	[sflag:s11] =	ssyncadd.s32 $0xFFFFFE00  }
0xc5: {  	_ =	swait.ge [sflag:s11], $0x200  }
0xc6: {  	[sflag:s11] =	ssyncset.done $0x0  }
0xc7: {  	[sflag:s11] =	ssyncadd.s32 $0xFFFFFE00  }
0xc8: {  	_ =	swait.ge [sflag:s11], $0x200  }
0xc9: {  	[sflag:s11] =	ssyncset.done $0x0  }
0xca: {  	[sflag:s11] =	ssyncadd.s32 $0xFFFFFE00  }
0xcb: {  	_ =	swait.ge [sflag:s11], $0x200  }
0xcc: {  	[sflag:s11] =	ssyncset.done $0x0  }
0xcd: {  	s12 =	sadd.s32 $0x1, s12;
	[sflag:s11] =	ssyncadd.s32 $0xFFFFFE00  }
0xce: {  	p0 =	sne.s32 s12, s19;
	_ =	swait.ge [sflag:s11], $0x200  }
.Ltmp1:
0xcf: {  	[sflag:s11] =	ssyncset.done $0x0;
	(pc) =	sbr.rel @p0 .LBB2_1-.Ltmp1, $4  }
0xd0: {  	[sflag:s11] =	ssyncadd.s32 $0xFFFFFE00  }
0xd1: {  	_ =	swait.ge [sflag:s11], $0x200  }
0xd2: {  	[sflag:s11] =	ssyncset.done $0x0  }
0xd3: {  	[sflag:s11] =	ssyncadd.s32 $0xFFFFFE00  }
0xd4: {  	_ =	sfence.sel $0x180000  }
0xd5: {  	[bflag:$0x0] =	sbarrier.arrive $0xFFFF  }
0xd6: {  	_ =	strace $0x90000047  }
0xd7: {  	s0 =	stileid.u32;
	[bflag:$0x2] =	sbarrier.arrive $0xFFFF  }
0xd8: {  	p0 =	sne.s32 s0, $0x0;
	s0 =	rddreg [dreg:$0x5]  }
0xd9: {  	s0 =	sadd.s32 @!p0 $0x100000, s0  }
0xda: {  	[sflag:s0] =	ssyncadd.tile.s32 @!p0 $0x1;
	_ =	shalt  }
.Lfunc_end2:
_tile_overlayer_lowered:
.L_overlay_start_2:
0xdb: {  	(tag) =	ssettag $0x2  }
0xdc: {  	s0 =	rddreg [dreg:$0x0];
	s2 =	stileid.u32  }
0xdd: {  	s1 =	rddreg [dreg:$0x1];
	p0 =	sne.s32 s2, $0x0  }
0xde: {  	s3 =	rddreg [dreg:$0x2];
	[bflag:$0x3] =	sbarrier.arrive $0xFFFF;
	s2 =	simm.s32 @!p0 $0x1C06  }
0xdf: {  	[timem:s3], [sflag:s2] =	dma.local @!p0 [hbm:s0], s1  }
0xe0: {  	s0 =	simm.s32 @!p0 $0x6  }
0xe1: {  	_ =	swait.ge @!p0 [sflag:s0], s1  }
0xe2: {  	s1 =	ssub.s32 @!p0 $0x0, s1;
	[sflag:s0] =	ssyncset.done @!p0 $0x0  }
0xe3: {  	[sflag:s0] =	ssyncadd.s32 @!p0 s1  }
0xe4: {  	[bflag:$0x3] =	sbarrier.arrive $0xFFFF  }
0xe5: {  	_ =	shalt  }

</sc_bundles>
